<compile_context>
chip_gen: v7x
topology: tpu7x:2x2x1
jax: 0.10.2.dev20260603
libtpu: 0.0.44.dev20260713+nightly
codegen_flags: <defaults>
</compile_context>

<pallas_src>
import functools

import jax
import jax.numpy as jnp
from jax.experimental import pallas as pl
from jax.experimental.pallas import tpu as pltpu
from jax.experimental.pallas import tpu_sc as plsc

DIM = 1024
HIDDEN = 4096
NUM_EXPERTS = 8
TOP_K = 2
B = 4
S = 2048

TS = 512
NS = S // TS
HC = 2048
NC = HIDDEN // HC


def _routing_kernel(x_ref, wg_ref, bg_ref, wn_ref, bn_ref, gn_ref,
                    noisy_ref, ri_ref):
  b = pl.program_id(0)
  ri_ref[pl.ds(b, 1), :] = jnp.sum(x_ref[0], axis=0, keepdims=True) / S

  @pl.when(b == B - 1)
  def _():
    ri = ri_ref[...]
    logits = jnp.dot(ri, wg_ref[...],
                     preferred_element_type=jnp.float32) + bg_ref[...]
    nlog = jnp.dot(ri, wn_ref[...],
                   preferred_element_type=jnp.float32) + bn_ref[...]
    sp = jnp.logaddexp(nlog, 0.0)
    noisy_ref[...] = logits + gn_ref[...] * sp


def _sc_route_kernel(noisy_hbm, ints_hbm, wts_hbm, nz_v, iv, wv):
  core = jax.lax.axis_index("c")
  sub = jax.lax.axis_index("s")

  @pl.when(jnp.logical_and(core == 0, sub == 0))
  def _():
    pltpu.sync_copy(noisy_hbm, nz_v)
    iota = jax.lax.broadcasted_iota(jnp.int32, (16,), 0)
    lane_e = jax.lax.rem(iota, NUM_EXPERTS)
    seg = jax.lax.div(iota, NUM_EXPERTS)
    neg = jnp.float32(-3e38)

    es, ms = [], []
    for r in range(B):
      v = nz_v[0:16] if r < 2 else nz_v[16:32]
      m = seg == (r % 2)
      masked = jnp.where(m, v, neg)
      m0 = jnp.max(masked)
      i0 = jnp.min(jnp.where(jnp.logical_and(m, masked == m0), lane_e,
                             NUM_EXPERTS))
      m2 = jnp.logical_and(m, lane_e != i0)
      masked2 = jnp.where(m2, v, neg)
      m1 = jnp.max(masked2)
      i1 = jnp.min(jnp.where(jnp.logical_and(m2, masked2 == m1), lane_e,
                             NUM_EXPERTS))
      es += [i0, i1]
      ms += [(m0, m1)]

    dvec = jnp.zeros((16,), jnp.float32)
    for r in range(B):
      m0, m1 = ms[r]
      dvec = jnp.where(iota == 2 * r, m1 - m0, dvec)
      dvec = jnp.where(iota == 2 * r + 1, m0 - m1, dvec)
    wvec = 1.0 / (1.0 + jnp.exp(dvec))

    fe, fb = [es[0]], [jnp.int32(0)]
    for rp in range(1, B * TOP_K):
      dup = jnp.zeros((), jnp.bool_)
      for rq in range(rp):
        dup = jnp.logical_or(dup, es[rq] == es[rp])
      fe.append(jnp.where(dup, fe[rp - 1], es[rp]))
      fb.append(jnp.where(dup, fb[rp - 1], jnp.int32(rp // TOP_K)))

    ivec0 = jnp.zeros((16,), jnp.int32)
    ivec1 = jnp.zeros((16,), jnp.int32)
    for j in range(B * TOP_K):
      ivec0 = jnp.where(iota == j, es[j], ivec0)
      ivec0 = jnp.where(iota == NUM_EXPERTS + j, fe[j], ivec0)
      ivec1 = jnp.where(iota == j, fb[j], ivec1)
    iv[0:16] = ivec0
    iv[16:32] = ivec1
    wv[...] = wvec
    pltpu.sync_copy(iv, ints_hbm)
    pltpu.sync_copy(wv, wts_hbm)


def _ffn_kernel(idx_ref, fe_ref, fb_ref, wts_ref, x_ref, w1_ref, w2_ref, b1_ref, b2_ref,
                out_ref):
  b = pl.program_id(0)
  k = pl.program_id(1)
  c = pl.program_id(2)
  s = pl.program_id(3)

  e = idx_ref[b, k]
  dup = jnp.zeros((), dtype=jnp.bool_)
  for rp in range(B * TOP_K):
    bp, kp = rp // TOP_K, rp % TOP_K
    earlier = rp < b * TOP_K + k
    dup = jnp.logical_or(dup,
                         jnp.logical_and(earlier, idx_ref[bp, kp] == e))
  keep = jnp.logical_not(dup)

  row = pl.ds(s * TS, TS)
  first = jnp.logical_and(k == 0, c == 0)

  @pl.when(jnp.logical_and(first, jnp.logical_not(keep)))
  def _():
    out_ref[0, row, :] = jnp.zeros((TS, DIM), dtype=jnp.float32)

  @pl.when(keep)
  def _():
    w = wts_ref[b, k]
    h = jnp.dot(x_ref[0], w1_ref[0],
                preferred_element_type=jnp.float32) + b1_ref[0]
    h = 0.5 * h * (1.0 + jax.lax.erf(h * 0.7071067811865476))
    yc = jnp.dot(h, w2_ref[0],
                 preferred_element_type=jnp.float32)
    contrib = jnp.where(c == 0, yc + b2_ref[0], yc) * w

    @pl.when(first)
    def _():
      out_ref[0, row, :] = contrib

    @pl.when(jnp.logical_not(first))
    def _():
      out_ref[0, row, :] = out_ref[0, row, :] + contrib


@jax.jit
def kernel(router_input, x, Wg, bg, Wn, bn, W1, b1, W2, b2):
  gnoise = jax.random.normal(jax.random.key(42), (B, NUM_EXPERTS),
                             dtype=jnp.float32)

  noisy = pl.pallas_call(
      _routing_kernel,
      grid=(B,),
      in_specs=[
          pl.BlockSpec((1, S, DIM), lambda b: (b, 0, 0)),
          pl.BlockSpec((DIM, NUM_EXPERTS), lambda b: (0, 0)),
          pl.BlockSpec((1, NUM_EXPERTS), lambda b: (0, 0)),
          pl.BlockSpec((DIM, NUM_EXPERTS), lambda b: (0, 0)),
          pl.BlockSpec((1, NUM_EXPERTS), lambda b: (0, 0)),
          pl.BlockSpec((B, NUM_EXPERTS), lambda b: (0, 0)),
      ],
      out_specs=pl.BlockSpec((B, NUM_EXPERTS), lambda b: (0, 0)),
      out_shape=jax.ShapeDtypeStruct((B, NUM_EXPERTS), jnp.float32),
      scratch_shapes=[pltpu.MemorySpace.VMEM((B, DIM), jnp.float32)],
      compiler_params=pltpu.CompilerParams(
          dimension_semantics=("arbitrary",)),
  )(router_input, Wg, bg.reshape(1, -1), Wn, bn.reshape(1, -1), gnoise)

  mesh = plsc.VectorSubcoreMesh(core_axis_name="c", subcore_axis_name="s",
                                num_cores=2, num_subcores=16)
  ints, wvec = pl.kernel(
      _sc_route_kernel,
      out_type=[
          jax.ShapeDtypeStruct((32,), jnp.int32),
          jax.ShapeDtypeStruct((16,), jnp.float32),
      ],
      mesh=mesh,
      scratch_types=[
          pltpu.MemorySpace.VMEM((32,), jnp.float32),
          pltpu.MemorySpace.VMEM((32,), jnp.int32),
          pltpu.MemorySpace.VMEM((16,), jnp.float32),
      ],
      compiler_params=pltpu.CompilerParams(needs_layout_passes=False),
  )(noisy.reshape(B * NUM_EXPERTS))
  idx = ints[0:8].reshape(B, TOP_K)
  fetch_e = ints[8:16].reshape(B, TOP_K)
  fetch_b = ints[16:24].reshape(B, TOP_K)
  wts = wvec[0:8].reshape(B, TOP_K)

  b1r = b1.reshape(NUM_EXPERTS, 1, HIDDEN)
  b2r = b2.reshape(NUM_EXPERTS, 1, DIM)

  grid_spec = pltpu.PrefetchScalarGridSpec(
      num_scalar_prefetch=3,
      grid=(B, TOP_K, NC, NS),
      in_specs=[
          pl.BlockSpec((B, TOP_K), memory_space=pltpu.SMEM),
          pl.BlockSpec((1, TS, DIM),
                       lambda b, k, c, s, idx, fe, fb: (fb[b, k], s, 0)),
          pl.BlockSpec((1, DIM, HC),
                       lambda b, k, c, s, idx, fe, fb: (fe[b, k], 0, c)),
          pl.BlockSpec((1, HC, DIM),
                       lambda b, k, c, s, idx, fe, fb: (fe[b, k], c, 0)),
          pl.BlockSpec((1, 1, HC),
                       lambda b, k, c, s, idx, fe, fb: (fe[b, k], 0, c)),
          pl.BlockSpec((1, 1, DIM),
                       lambda b, k, c, s, idx, fe, fb: (fe[b, k], 0, 0)),
      ],
      out_specs=pl.BlockSpec((1, S, DIM), lambda b, k, c, s, idx, fe, fb: (b, 0, 0)),
  )

  out = pl.pallas_call(
      _ffn_kernel,
      grid_spec=grid_spec,
      out_shape=jax.ShapeDtypeStruct((B, S, DIM), jnp.float32),
      compiler_params=pltpu.CompilerParams(
          dimension_semantics=("arbitrary",) * 4,
          vmem_limit_bytes=100 * 1024 * 1024),
  )(idx, fetch_e, fetch_b, wts, x, W1, W2, b1r, b2r)

  return out

# --- scband reference (transcript-rebuilt; emitter-appended) ---
"""Pipeline reference for scband-sample-sparse-mo-e-57509612093490 (READ-ONLY COPY).

The authoritative reference and input builder live on the scoring server;
editing this copy changes nothing except your own understanding.
"""

import jax, jax.numpy as jnp
import numpy as np

DIM = 1024
HIDDEN = 4096
NUM_EXPERTS = 8
TOP_K = 2
CAP_FACTOR = 1.0
B = 4
S = 2048


def setup_inputs(seed: int = 0) -> dict:
    key = jax.random.key(seed)
    ks = jax.random.split(key, 8)
    router_input = jax.random.normal(ks[0], (B, S, DIM), dtype=jnp.float32)
    x = jax.random.normal(ks[1], (B, S, DIM), dtype=jnp.float32)
    Wg = jax.random.normal(ks[2], (DIM, NUM_EXPERTS), dtype=jnp.float32) * 0.02
    bg = jnp.zeros((NUM_EXPERTS,), dtype=jnp.float32)
    Wn = jax.random.normal(ks[3], (DIM, NUM_EXPERTS), dtype=jnp.float32) * 0.02
    bn = jnp.zeros((NUM_EXPERTS,), dtype=jnp.float32)
    W1 = jax.random.normal(ks[4], (NUM_EXPERTS, DIM, HIDDEN), dtype=jnp.float32) * 0.02
    b1 = jnp.zeros((NUM_EXPERTS, HIDDEN), dtype=jnp.float32)
    W2 = jax.random.normal(ks[5], (NUM_EXPERTS, HIDDEN, DIM), dtype=jnp.float32) * 0.02
    b2 = jnp.zeros((NUM_EXPERTS, DIM), dtype=jnp.float32)
    return {"router_input": router_input, "x": x, "Wg": Wg, "bg": bg,
            "Wn": Wn, "bn": bn, "W1": W1, "b1": b1, "W2": W2, "b2": b2}


def reference(router_input, x, Wg, bg, Wn, bn, W1, b1, W2, b2):
    Bsz, Slen, D = x.shape
    E = Wg.shape[1]
    # --- NoisyTopkRouter ---
    ri = router_input.mean(axis=1)                      # [B, D]
    logits = ri @ Wg + bg                               # [B, E]
    noise_logits = ri @ Wn + bn                         # [B, E]
    gnoise = jax.random.normal(jax.random.key(42), logits.shape, dtype=jnp.float32)
    noisy = logits + gnoise * jax.nn.softplus(noise_logits)
    topk_vals, topk_idx = jax.lax.top_k(noisy, TOP_K)
    rows = jnp.arange(Bsz)[:, None]
    sparse = jnp.full(noisy.shape, -jnp.inf, dtype=noisy.dtype).at[rows, topk_idx].set(topk_vals)
    router_output = jax.nn.softmax(sparse, axis=-1)     # [B, E]
    # --- dispatch (sample-level routing; each routed item is a full sequence) ---
    flat_idx = topk_idx.reshape(-1)                     # [B*top_k]
    flat_w = jnp.take_along_axis(router_output, topk_idx, axis=1).reshape(-1)
    sample_indices = jnp.repeat(jnp.arange(Bsz), TOP_K)
    sort_idx = jnp.argsort(flat_idx, stable=True)
    sorted_expert = flat_idx[sort_idx]
    sorted_w = flat_w[sort_idx]
    sorted_samp = sample_indices[sort_idx]
    expert_capacity = max(int(Bsz * TOP_K / E * CAP_FACTOR), 1)
    first_pos = jnp.searchsorted(sorted_expert, sorted_expert, side="left")
    rank_in_expert = jnp.arange(sorted_expert.shape[0]) - first_pos
    keep = rank_in_expert < expert_capacity
    kept_w = jnp.where(keep, sorted_w, jnp.zeros_like(sorted_w))
    kept_x = x[sorted_samp]                             # [B*top_k, S, D]
    # --- per-expert FFN ---
    h = jax.nn.gelu(jnp.matmul(kept_x, W1[sorted_expert]) + b1[sorted_expert][:, None, :],
                    approximate=False)
    combined = jnp.matmul(h, W2[sorted_expert]) + b2[sorted_expert][:, None, :]
    weighted = combined * kept_w[:, None, None]
    final = jnp.zeros_like(x).at[sorted_samp].add(weighted)
    return final

if __name__ == "__main__":
    import jax
    _d = setup_inputs()
    print(jax.jit(kernel)(*tuple(_d.values())))

</pallas_src>

<mosaic_0001>
#map = affine_map<(d0, d1) -> (0)>
module attributes {stable_mosaic.version = 14 : i64} {
  func.func @_sc_route_kernel(%arg0: i32, %arg1: i32, %arg2: memref<32xf32, #tpu.memory_space<hbm>>, %arg3: memref<32xi32, #tpu.memory_space<hbm>>, %arg4: memref<16xf32, #tpu.memory_space<hbm>>, %arg5: memref<32xf32, #tpu.memory_space<vmem>>, %arg6: memref<32xi32, #tpu.memory_space<vmem>>, %arg7: memref<16xf32, #tpu.memory_space<vmem>>) attributes {dimension_semantics = [#tpu.dimension_semantics<core_parallel>, #tpu.dimension_semantics<subcore_parallel>], iteration_bounds = array<i64: 2, 16>, scalar_prefetch = 0 : i64, scratch_operands = 3 : i64, tpu.core_type = #tpu.core_type<sc_vector_subcore>, window_params = [{transform_indices = #map}, {transform_indices = #map}, {transform_indices = #map}]} {
    %eq3A = arith.constant 0 : i32
    %eq3A_0 = arith.cmpi eq, %arg0, %eq3A : i32
    %eq3A_1 = arith.constant 0 : i32
    %eq3A_2 = arith.cmpi eq, %arg1, %eq3A_1 : i32
    %and3A = arith.andi %eq3A_0, %eq3A_2 : i1
    %convert_element_type3A = arith.extui %and3A : i1 to i32
    %cond3A = arith.constant 0 : i32
    %cond3A_3 = arith.cmpi ne, %convert_element_type3A, %cond3A : i32
    scf.if %cond3A_3 {
      "tpu.region"() ({
        %run_scoped3A = tpu.sem_alloc : memref<!tpu.dma_semaphore, #tpu.memory_space<semaphore_mem>>
        tpu.enqueue_dma source(%arg2 : memref<32xf32, #tpu.memory_space<hbm>>) target(%arg5 : memref<32xf32, #tpu.memory_space<vmem>>) target_semaphore(%run_scoped3A : memref<!tpu.dma_semaphore, #tpu.memory_space<semaphore_mem>>)
        tpu.wait_dma2 semaphore(%run_scoped3A : memref<!tpu.dma_semaphore, #tpu.memory_space<semaphore_mem>>) src(%arg2 : memref<32xf32, #tpu.memory_space<hbm>>) dst(%arg5 : memref<32xf32, #tpu.memory_space<vmem>>)
        tpu.yield
      }) : () -> ()
      %iota3A = tpu.iota {dimensions = array<i32: 0>} : vector<16xi32>
      %rem3A = arith.constant 8 : i32
      %rem3A_4 = vector.broadcast %rem3A : i32 to vector<16xi32>
      %rem3A_5 = arith.remsi %iota3A, %rem3A_4 : vector<16xi32>
      %div3A = arith.constant 8 : i32
      %div3A_6 = vector.broadcast %div3A : i32 to vector<16xi32>
      %div3A_7 = arith.divsi %iota3A, %div3A_6 : vector<16xi32>
      %get3A = arith.constant 0 : index
      %get3A_8 = tpu.vector_load %arg5[%get3A] {strides = array<i32>} : memref<32xf32, #tpu.memory_space<vmem>>, vector<16xf32>,
      %eq3A_9 = arith.constant 0 : i32
      %eq3A_10 = vector.broadcast %eq3A_9 : i32 to vector<16xi32>
      %eq3A_11 = arith.cmpi eq, %div3A_7, %eq3A_10 : vector<16xi32>
      %jit3A = arith.constant -3.000000e+38 : f32
      %broadcast_in_dim3A = vector.broadcast %jit3A : f32 to vector<16xf32>
      %select_n3A = arith.select %eq3A_11, %get3A_8, %broadcast_in_dim3A : vector<16xi1>, vector<16xf32>
      %reduce_max3A = arith.constant true
      %reduce_max3A_12 = vector.broadcast %reduce_max3A : i1 to vector<16xi1>
      %reduce_max3A_13 = tpu.scan <max>, %select_n3A masked %reduce_max3A_12 : vector<16xf32>, vector<16xi1> -> vector<16xf32>
      %reduce_max3A_14 = vector.extract %reduce_max3A_13[15] : f32 from vector<16xf32>
      %eq3A_15 = vector.broadcast %reduce_max3A_14 : f32 to vector<16xf32>
      %eq3A_16 = arith.cmpf oeq, %select_n3A, %eq3A_15 : vector<16xf32>
      %and3A_17 = arith.andi %eq3A_11, %eq3A_16 : vector<16xi1>
      %jit3A_18 = arith.constant 8 : i32
      %broadcast_in_dim3A_19 = vector.broadcast %jit3A_18 : i32 to vector<16xi32>
      %select_n3A_20 = arith.select %and3A_17, %rem3A_5, %broadcast_in_dim3A_19 : vector<16xi1>, vector<16xi32>
      %reduce_min3A = arith.constant true
      %reduce_min3A_21 = vector.broadcast %reduce_min3A : i1 to vector<16xi1>
      %reduce_min3A_22 = arith.constant -2147483648 : i32
      %reduce_min3A_23 = vector.broadcast %reduce_min3A_22 : i32 to vector<16xi32>
      %reduce_min3A_24 = arith.xori %select_n3A_20, %reduce_min3A_23 : vector<16xi32>
      %reduce_min3A_25 = tpu.scan <min>, %reduce_min3A_24 masked %reduce_min3A_21 : vector<16xi32>, vector<16xi1> -> vector<16xi32>
      %reduce_min3A_26 = arith.xori %reduce_min3A_25, %reduce_min3A_23 : vector<16xi32>
      %reduce_min3A_27 = vector.extract %reduce_min3A_26[15] : i32 from vector<16xi32>
      %ne3A = vector.broadcast %reduce_min3A_27 : i32 to vector<16xi32>
      %ne3A_28 = arith.cmpi ne, %rem3A_5, %ne3A : vector<16xi32>
      %and3A_29 = arith.andi %eq3A_11, %ne3A_28 : vector<16xi1>
      %jit3A_30 = arith.constant -3.000000e+38 : f32
      %broadcast_in_dim3A_31 = vector.broadcast %jit3A_30 : f32 to vector<16xf32>
      %select_n3A_32 = arith.select %and3A_29, %get3A_8, %broadcast_in_dim3A_31 : vector<16xi1>, vector<16xf32>
      %reduce_max3A_33 = arith.constant true
      %reduce_max3A_34 = vector.broadcast %reduce_max3A_33 : i1 to vector<16xi1>
      %reduce_max3A_35 = tpu.scan <max>, %select_n3A_32 masked %reduce_max3A_34 : vector<16xf32>, vector<16xi1> -> vector<16xf32>
      %reduce_max3A_36 = vector.extract %reduce_max3A_35[15] : f32 from vector<16xf32>
      %eq3A_37 = vector.broadcast %reduce_max3A_36 : f32 to vector<16xf32>
      %eq3A_38 = arith.cmpf oeq, %select_n3A_32, %eq3A_37 : vector<16xf32>
      %and3A_39 = arith.andi %and3A_29, %eq3A_38 : vector<16xi1>
      %jit3A_40 = arith.constant 8 : i32
      %broadcast_in_dim3A_41 = vector.broadcast %jit3A_40 : i32 to vector<16xi32>
      %select_n3A_42 = arith.select %and3A_39, %rem3A_5, %broadcast_in_dim3A_41 : vector<16xi1>, vector<16xi32>
      %reduce_min3A_43 = arith.constant true
      %reduce_min3A_44 = vector.broadcast %reduce_min3A_43 : i1 to vector<16xi1>
      %reduce_min3A_45 = arith.constant -2147483648 : i32
      %reduce_min3A_46 = vector.broadcast %reduce_min3A_45 : i32 to vector<16xi32>
      %reduce_min3A_47 = arith.xori %select_n3A_42, %reduce_min3A_46 : vector<16xi32>
      %reduce_min3A_48 = tpu.scan <min>, %reduce_min3A_47 masked %reduce_min3A_44 : vector<16xi32>, vector<16xi1> -> vector<16xi32>
      %reduce_min3A_49 = arith.xori %reduce_min3A_48, %reduce_min3A_46 : vector<16xi32>
      %reduce_min3A_50 = vector.extract %reduce_min3A_49[15] : i32 from vector<16xi32>
      %get3A_51 = arith.constant 0 : index
      %get3A_52 = tpu.vector_load %arg5[%get3A_51] {strides = array<i32>} : memref<32xf32, #tpu.memory_space<vmem>>, vector<16xf32>,
      %eq3A_53 = arith.constant 1 : i32
      %eq3A_54 = vector.broadcast %eq3A_53 : i32 to vector<16xi32>
      %eq3A_55 = arith.cmpi eq, %div3A_7, %eq3A_54 : vector<16xi32>
      %jit3A_56 = arith.constant -3.000000e+38 : f32
      %broadcast_in_dim3A_57 = vector.broadcast %jit3A_56 : f32 to vector<16xf32>
      %select_n3A_58 = arith.select %eq3A_55, %get3A_52, %broadcast_in_dim3A_57 : vector<16xi1>, vector<16xf32>
      %reduce_max3A_59 = arith.constant true
      %reduce_max3A_60 = vector.broadcast %reduce_max3A_59 : i1 to vector<16xi1>
      %reduce_max3A_61 = tpu.scan <max>, %select_n3A_58 masked %reduce_max3A_60 : vector<16xf32>, vector<16xi1> -> vector<16xf32>
      %reduce_max3A_62 = vector.extract %reduce_max3A_61[15] : f32 from vector<16xf32>
      %eq3A_63 = vector.broadcast %reduce_max3A_62 : f32 to vector<16xf32>
      %eq3A_64 = arith.cmpf oeq, %select_n3A_58, %eq3A_63 : vector<16xf32>
      %and3A_65 = arith.andi %eq3A_55, %eq3A_64 : vector<16xi1>
      %jit3A_66 = arith.constant 8 : i32
      %broadcast_in_dim3A_67 = vector.broadcast %jit3A_66 : i32 to vector<16xi32>
      %select_n3A_68 = arith.select %and3A_65, %rem3A_5, %broadcast_in_dim3A_67 : vector<16xi1>, vector<16xi32>
      %reduce_min3A_69 = arith.constant true
      %reduce_min3A_70 = vector.broadcast %reduce_min3A_69 : i1 to vector<16xi1>
      %reduce_min3A_71 = arith.constant -2147483648 : i32
      %reduce_min3A_72 = vector.broadcast %reduce_min3A_71 : i32 to vector<16xi32>
      %reduce_min3A_73 = arith.xori %select_n3A_68, %reduce_min3A_72 : vector<16xi32>
      %reduce_min3A_74 = tpu.scan <min>, %reduce_min3A_73 masked %reduce_min3A_70 : vector<16xi32>, vector<16xi1> -> vector<16xi32>
      %reduce_min3A_75 = arith.xori %reduce_min3A_74, %reduce_min3A_72 : vector<16xi32>
      %reduce_min3A_76 = vector.extract %reduce_min3A_75[15] : i32 from vector<16xi32>
      %ne3A_77 = vector.broadcast %reduce_min3A_76 : i32 to vector<16xi32>
      %ne3A_78 = arith.cmpi ne, %rem3A_5, %ne3A_77 : vector<16xi32>
      %and3A_79 = arith.andi %eq3A_55, %ne3A_78 : vector<16xi1>
      %jit3A_80 = arith.constant -3.000000e+38 : f32
      %broadcast_in_dim3A_81 = vector.broadcast %jit3A_80 : f32 to vector<16xf32>
      %select_n3A_82 = arith.select %and3A_79, %get3A_52, %broadcast_in_dim3A_81 : vector<16xi1>, vector<16xf32>
      %reduce_max3A_83 = arith.constant true
      %reduce_max3A_84 = vector.broadcast %reduce_max3A_83 : i1 to vector<16xi1>
      %reduce_max3A_85 = tpu.scan <max>, %select_n3A_82 masked %reduce_max3A_84 : vector<16xf32>, vector<16xi1> -> vector<16xf32>
      %reduce_max3A_86 = vector.extract %reduce_max3A_85[15] : f32 from vector<16xf32>
      %eq3A_87 = vector.broadcast %reduce_max3A_86 : f32 to vector<16xf32>
      %eq3A_88 = arith.cmpf oeq, %select_n3A_82, %eq3A_87 : vector<16xf32>
      %and3A_89 = arith.andi %and3A_79, %eq3A_88 : vector<16xi1>
      %jit3A_90 = arith.constant 8 : i32
      %broadcast_in_dim3A_91 = vector.broadcast %jit3A_90 : i32 to vector<16xi32>
      %select_n3A_92 = arith.select %and3A_89, %rem3A_5, %broadcast_in_dim3A_91 : vector<16xi1>, vector<16xi32>
      %reduce_min3A_93 = arith.constant true
      %reduce_min3A_94 = vector.broadcast %reduce_min3A_93 : i1 to vector<16xi1>
      %reduce_min3A_95 = arith.constant -2147483648 : i32
      %reduce_min3A_96 = vector.broadcast %reduce_min3A_95 : i32 to vector<16xi32>
      %reduce_min3A_97 = arith.xori %select_n3A_92, %reduce_min3A_96 : vector<16xi32>
      %reduce_min3A_98 = tpu.scan <min>, %reduce_min3A_97 masked %reduce_min3A_94 : vector<16xi32>, vector<16xi1> -> vector<16xi32>
      %reduce_min3A_99 = arith.xori %reduce_min3A_98, %reduce_min3A_96 : vector<16xi32>
      %reduce_min3A_100 = vector.extract %reduce_min3A_99[15] : i32 from vector<16xi32>
      %get3A_101 = arith.constant 16 : index
      %get3A_102 = tpu.vector_load %arg5[%get3A_101] {strides = array<i32>} : memref<32xf32, #tpu.memory_space<vmem>>, vector<16xf32>,
      %eq3A_103 = arith.constant 0 : i32
      %eq3A_104 = vector.broadcast %eq3A_103 : i32 to vector<16xi32>
      %eq3A_105 = arith.cmpi eq, %div3A_7, %eq3A_104 : vector<16xi32>
      %jit3A_106 = arith.constant -3.000000e+38 : f32
      %broadcast_in_dim3A_107 = vector.broadcast %jit3A_106 : f32 to vector<16xf32>
      %select_n3A_108 = arith.select %eq3A_105, %get3A_102, %broadcast_in_dim3A_107 : vector<16xi1>, vector<16xf32>
      %reduce_max3A_109 = arith.constant true
      %reduce_max3A_110 = vector.broadcast %reduce_max3A_109 : i1 to vector<16xi1>
      %reduce_max3A_111 = tpu.scan <max>, %select_n3A_108 masked %reduce_max3A_110 : vector<16xf32>, vector<16xi1> -> vector<16xf32>
      %reduce_max3A_112 = vector.extract %reduce_max3A_111[15] : f32 from vector<16xf32>
      %eq3A_113 = vector.broadcast %reduce_max3A_112 : f32 to vector<16xf32>
      %eq3A_114 = arith.cmpf oeq, %select_n3A_108, %eq3A_113 : vector<16xf32>
      %and3A_115 = arith.andi %eq3A_105, %eq3A_114 : vector<16xi1>
      %jit3A_116 = arith.constant 8 : i32
      %broadcast_in_dim3A_117 = vector.broadcast %jit3A_116 : i32 to vector<16xi32>
      %select_n3A_118 = arith.select %and3A_115, %rem3A_5, %broadcast_in_dim3A_117 : vector<16xi1>, vector<16xi32>
      %reduce_min3A_119 = arith.constant true
      %reduce_min3A_120 = vector.broadcast %reduce_min3A_119 : i1 to vector<16xi1>
      %reduce_min3A_121 = arith.constant -2147483648 : i32
      %reduce_min3A_122 = vector.broadcast %reduce_min3A_121 : i32 to vector<16xi32>
      %reduce_min3A_123 = arith.xori %select_n3A_118, %reduce_min3A_122 : vector<16xi32>
      %reduce_min3A_124 = tpu.scan <min>, %reduce_min3A_123 masked %reduce_min3A_120 : vector<16xi32>, vector<16xi1> -> vector<16xi32>
      %reduce_min3A_125 = arith.xori %reduce_min3A_124, %reduce_min3A_122 : vector<16xi32>
      %reduce_min3A_126 = vector.extract %reduce_min3A_125[15] : i32 from vector<16xi32>
      %ne3A_127 = vector.broadcast %reduce_min3A_126 : i32 to vector<16xi32>
      %ne3A_128 = arith.cmpi ne, %rem3A_5, %ne3A_127 : vector<16xi32>
      %and3A_129 = arith.andi %eq3A_105, %ne3A_128 : vector<16xi1>
      %jit3A_130 = arith.constant -3.000000e+38 : f32
      %broadcast_in_dim3A_131 = vector.broadcast %jit3A_130 : f32 to vector<16xf32>
      %select_n3A_132 = arith.select %and3A_129, %get3A_102, %broadcast_in_dim3A_131 : vector<16xi1>, vector<16xf32>
      %reduce_max3A_133 = arith.constant true
      %reduce_max3A_134 = vector.broadcast %reduce_max3A_133 : i1 to vector<16xi1>
      %reduce_max3A_135 = tpu.scan <max>, %select_n3A_132 masked %reduce_max3A_134 : vector<16xf32>, vector<16xi1> -> vector<16xf32>
      %reduce_max3A_136 = vector.extract %reduce_max3A_135[15] : f32 from vector<16xf32>
      %eq3A_137 = vector.broadcast %reduce_max3A_136 : f32 to vector<16xf32>
      %eq3A_138 = arith.cmpf oeq, %select_n3A_132, %eq3A_137 : vector<16xf32>
      %and3A_139 = arith.andi %and3A_129, %eq3A_138 : vector<16xi1>
      %jit3A_140 = arith.constant 8 : i32
      %broadcast_in_dim3A_141 = vector.broadcast %jit3A_140 : i32 to vector<16xi32>
      %select_n3A_142 = arith.select %and3A_139, %rem3A_5, %broadcast_in_dim3A_141 : vector<16xi1>, vector<16xi32>
      %reduce_min3A_143 = arith.constant true
      %reduce_min3A_144 = vector.broadcast %reduce_min3A_143 : i1 to vector<16xi1>
      %reduce_min3A_145 = arith.constant -2147483648 : i32
      %reduce_min3A_146 = vector.broadcast %reduce_min3A_145 : i32 to vector<16xi32>
      %reduce_min3A_147 = arith.xori %select_n3A_142, %reduce_min3A_146 : vector<16xi32>
      %reduce_min3A_148 = tpu.scan <min>, %reduce_min3A_147 masked %reduce_min3A_144 : vector<16xi32>, vector<16xi1> -> vector<16xi32>
      %reduce_min3A_149 = arith.xori %reduce_min3A_148, %reduce_min3A_146 : vector<16xi32>
      %reduce_min3A_150 = vector.extract %reduce_min3A_149[15] : i32 from vector<16xi32>
      %get3A_151 = arith.constant 16 : index
      %get3A_152 = tpu.vector_load %arg5[%get3A_151] {strides = array<i32>} : memref<32xf32, #tpu.memory_space<vmem>>, vector<16xf32>,
      %eq3A_153 = arith.constant 1 : i32
      %eq3A_154 = vector.broadcast %eq3A_153 : i32 to vector<16xi32>
      %eq3A_155 = arith.cmpi eq, %div3A_7, %eq3A_154 : vector<16xi32>
      %jit3A_156 = arith.constant -3.000000e+38 : f32
      %broadcast_in_dim3A_157 = vector.broadcast %jit3A_156 : f32 to vector<16xf32>
      %select_n3A_158 = arith.select %eq3A_155, %get3A_152, %broadcast_in_dim3A_157 : vector<16xi1>, vector<16xf32>
      %reduce_max3A_159 = arith.constant true
      %reduce_max3A_160 = vector.broadcast %reduce_max3A_159 : i1 to vector<16xi1>
      %reduce_max3A_161 = tpu.scan <max>, %select_n3A_158 masked %reduce_max3A_160 : vector<16xf32>, vector<16xi1> -> vector<16xf32>
      %reduce_max3A_162 = vector.extract %reduce_max3A_161[15] : f32 from vector<16xf32>
      %eq3A_163 = vector.broadcast %reduce_max3A_162 : f32 to vector<16xf32>
      %eq3A_164 = arith.cmpf oeq, %select_n3A_158, %eq3A_163 : vector<16xf32>
      %and3A_165 = arith.andi %eq3A_155, %eq3A_164 : vector<16xi1>
      %jit3A_166 = arith.constant 8 : i32
      %broadcast_in_dim3A_167 = vector.broadcast %jit3A_166 : i32 to vector<16xi32>
      %select_n3A_168 = arith.select %and3A_165, %rem3A_5, %broadcast_in_dim3A_167 : vector<16xi1>, vector<16xi32>
      %reduce_min3A_169 = arith.constant true
      %reduce_min3A_170 = vector.broadcast %reduce_min3A_169 : i1 to vector<16xi1>
      %reduce_min3A_171 = arith.constant -2147483648 : i32
      %reduce_min3A_172 = vector.broadcast %reduce_min3A_171 : i32 to vector<16xi32>
      %reduce_min3A_173 = arith.xori %select_n3A_168, %reduce_min3A_172 : vector<16xi32>
      %reduce_min3A_174 = tpu.scan <min>, %reduce_min3A_173 masked %reduce_min3A_170 : vector<16xi32>, vector<16xi1> -> vector<16xi32>
      %reduce_min3A_175 = arith.xori %reduce_min3A_174, %reduce_min3A_172 : vector<16xi32>
      %reduce_min3A_176 = vector.extract %reduce_min3A_175[15] : i32 from vector<16xi32>
      %ne3A_177 = vector.broadcast %reduce_min3A_176 : i32 to vector<16xi32>
      %ne3A_178 = arith.cmpi ne, %rem3A_5, %ne3A_177 : vector<16xi32>
      %and3A_179 = arith.andi %eq3A_155, %ne3A_178 : vector<16xi1>
      %jit3A_180 = arith.constant -3.000000e+38 : f32
      %broadcast_in_dim3A_181 = vector.broadcast %jit3A_180 : f32 to vector<16xf32>
      %select_n3A_182 = arith.select %and3A_179, %get3A_152, %broadcast_in_dim3A_181 : vector<16xi1>, vector<16xf32>
      %reduce_max3A_183 = arith.constant true
      %reduce_max3A_184 = vector.broadcast %reduce_max3A_183 : i1 to vector<16xi1>
      %reduce_max3A_185 = tpu.scan <max>, %select_n3A_182 masked %reduce_max3A_184 : vector<16xf32>, vector<16xi1> -> vector<16xf32>
      %reduce_max3A_186 = vector.extract %reduce_max3A_185[15] : f32 from vector<16xf32>
      %eq3A_187 = vector.broadcast %reduce_max3A_186 : f32 to vector<16xf32>
      %eq3A_188 = arith.cmpf oeq, %select_n3A_182, %eq3A_187 : vector<16xf32>
      %and3A_189 = arith.andi %and3A_179, %eq3A_188 : vector<16xi1>
      %jit3A_190 = arith.constant 8 : i32
      %broadcast_in_dim3A_191 = vector.broadcast %jit3A_190 : i32 to vector<16xi32>
      %select_n3A_192 = arith.select %and3A_189, %rem3A_5, %broadcast_in_dim3A_191 : vector<16xi1>, vector<16xi32>
      %reduce_min3A_193 = arith.constant true
      %reduce_min3A_194 = vector.broadcast %reduce_min3A_193 : i1 to vector<16xi1>
      %reduce_min3A_195 = arith.constant -2147483648 : i32
      %reduce_min3A_196 = vector.broadcast %reduce_min3A_195 : i32 to vector<16xi32>
      %reduce_min3A_197 = arith.xori %select_n3A_192, %reduce_min3A_196 : vector<16xi32>
      %reduce_min3A_198 = tpu.scan <min>, %reduce_min3A_197 masked %reduce_min3A_194 : vector<16xi32>, vector<16xi1> -> vector<16xi32>
      %reduce_min3A_199 = arith.xori %reduce_min3A_198, %reduce_min3A_196 : vector<16xi32>
      %reduce_min3A_200 = vector.extract %reduce_min3A_199[15] : i32 from vector<16xi32>
      %broadcast_in_dim3A_201 = arith.constant 0.000000e+00 : f32
      %broadcast_in_dim3A_202 = vector.broadcast %broadcast_in_dim3A_201 : f32 to vector<16xf32>
      %eq3A_203 = arith.constant 0 : i32
      %eq3A_204 = vector.broadcast %eq3A_203 : i32 to vector<16xi32>
      %eq3A_205 = arith.cmpi eq, %iota3A, %eq3A_204 : vector<16xi32>
      %sub3A = arith.subf %reduce_max3A_36, %reduce_max3A_14 : f32
      %broadcast_in_dim3A_206 = vector.broadcast %sub3A : f32 to vector<16xf32>
      %select_n3A_207 = arith.select %eq3A_205, %broadcast_in_dim3A_206, %broadcast_in_dim3A_202 : vector<16xi1>, vector<16xf32>
      %eq3A_208 = arith.constant 1 : i32
      %eq3A_209 = vector.broadcast %eq3A_208 : i32 to vector<16xi32>
      %eq3A_210 = arith.cmpi eq, %iota3A, %eq3A_209 : vector<16xi32>
      %sub3A_211 = arith.subf %reduce_max3A_14, %reduce_max3A_36 : f32
      %broadcast_in_dim3A_212 = vector.broadcast %sub3A_211 : f32 to vector<16xf32>
      %select_n3A_213 = arith.select %eq3A_210, %broadcast_in_dim3A_212, %select_n3A_207 : vector<16xi1>, vector<16xf32>
      %eq3A_214 = arith.constant 2 : i32
      %eq3A_215 = vector.broadcast %eq3A_214 : i32 to vector<16xi32>
      %eq3A_216 = arith.cmpi eq, %iota3A, %eq3A_215 : vector<16xi32>
      %sub3A_217 = arith.subf %reduce_max3A_86, %reduce_max3A_62 : f32
      %broadcast_in_dim3A_218 = vector.broadcast %sub3A_217 : f32 to vector<16xf32>
      %select_n3A_219 = arith.select %eq3A_216, %broadcast_in_dim3A_218, %select_n3A_213 : vector<16xi1>, vector<16xf32>
      %eq3A_220 = arith.constant 3 : i32
      %eq3A_221 = vector.broadcast %eq3A_220 : i32 to vector<16xi32>
      %eq3A_222 = arith.cmpi eq, %iota3A, %eq3A_221 : vector<16xi32>
      %sub3A_223 = arith.subf %reduce_max3A_62, %reduce_max3A_86 : f32
      %broadcast_in_dim3A_224 = vector.broadcast %sub3A_223 : f32 to vector<16xf32>
      %select_n3A_225 = arith.select %eq3A_222, %broadcast_in_dim3A_224, %select_n3A_219 : vector<16xi1>, vector<16xf32>
      %eq3A_226 = arith.constant 4 : i32
      %eq3A_227 = vector.broadcast %eq3A_226 : i32 to vector<16xi32>
      %eq3A_228 = arith.cmpi eq, %iota3A, %eq3A_227 : vector<16xi32>
      %sub3A_229 = arith.subf %reduce_max3A_136, %reduce_max3A_112 : f32
      %broadcast_in_dim3A_230 = vector.broadcast %sub3A_229 : f32 to vector<16xf32>
      %select_n3A_231 = arith.select %eq3A_228, %broadcast_in_dim3A_230, %select_n3A_225 : vector<16xi1>, vector<16xf32>
      %eq3A_232 = arith.constant 5 : i32
      %eq3A_233 = vector.broadcast %eq3A_232 : i32 to vector<16xi32>
      %eq3A_234 = arith.cmpi eq, %iota3A, %eq3A_233 : vector<16xi32>
      %sub3A_235 = arith.subf %reduce_max3A_112, %reduce_max3A_136 : f32
      %broadcast_in_dim3A_236 = vector.broadcast %sub3A_235 : f32 to vector<16xf32>
      %select_n3A_237 = arith.select %eq3A_234, %broadcast_in_dim3A_236, %select_n3A_231 : vector<16xi1>, vector<16xf32>
      %eq3A_238 = arith.constant 6 : i32
      %eq3A_239 = vector.broadcast %eq3A_238 : i32 to vector<16xi32>
      %eq3A_240 = arith.cmpi eq, %iota3A, %eq3A_239 : vector<16xi32>
      %sub3A_241 = arith.subf %reduce_max3A_186, %reduce_max3A_162 : f32
      %broadcast_in_dim3A_242 = vector.broadcast %sub3A_241 : f32 to vector<16xf32>
      %select_n3A_243 = arith.select %eq3A_240, %broadcast_in_dim3A_242, %select_n3A_237 : vector<16xi1>, vector<16xf32>
      %eq3A_244 = arith.constant 7 : i32
      %eq3A_245 = vector.broadcast %eq3A_244 : i32 to vector<16xi32>
      %eq3A_246 = arith.cmpi eq, %iota3A, %eq3A_245 : vector<16xi32>
      %sub3A_247 = arith.subf %reduce_max3A_162, %reduce_max3A_186 : f32
      %broadcast_in_dim3A_248 = vector.broadcast %sub3A_247 : f32 to vector<16xf32>
      %select_n3A_249 = arith.select %eq3A_246, %broadcast_in_dim3A_248, %select_n3A_243 : vector<16xi1>, vector<16xf32>
      %exp3A = math.exp %select_n3A_249 : vector<16xf32>
      %add3A = arith.constant 1.000000e+00 : f32
      %add3A_250 = vector.broadcast %add3A : f32 to vector<16xf32>
      %add3A_251 = arith.addf %add3A_250, %exp3A : vector<16xf32>
      %div3A_252 = arith.constant 1.000000e+00 : f32
      %div3A_253 = vector.broadcast %div3A_252 : f32 to vector<16xf32>
      %div3A_254 = arith.divf %div3A_253, %add3A_251 : vector<16xf32>
      %eq3A_255 = arith.cmpi eq, %reduce_min3A_27, %reduce_min3A_50 : i32
      %or3A = arith.constant false
      %or3A_256 = arith.ori %or3A, %eq3A_255 : i1
      %select_n3A_257 = arith.select %or3A_256, %reduce_min3A_27, %reduce_min3A_50 : i32
      %jit3A_258 = arith.constant 0 : i32
      %jit3A_259 = arith.constant 0 : i32
      %select_n3A_260 = arith.select %or3A_256, %jit3A_258, %jit3A_259 : i32
      %eq3A_261 = arith.cmpi eq, %reduce_min3A_27, %reduce_min3A_76 : i32
      %or3A_262 = arith.constant false
      %or3A_263 = arith.ori %or3A_262, %eq3A_261 : i1
      %eq3A_264 = arith.cmpi eq, %reduce_min3A_50, %reduce_min3A_76 : i32
      %or3A_265 = arith.ori %or3A_263, %eq3A_264 : i1
      %select_n3A_266 = arith.select %or3A_265, %select_n3A_257, %reduce_min3A_76 : i32
      %jit3A_267 = arith.constant 1 : i32
      %select_n3A_268 = arith.select %or3A_265, %select_n3A_260, %jit3A_267 : i32
      %eq3A_269 = arith.cmpi eq, %reduce_min3A_27, %reduce_min3A_100 : i32
      %or3A_270 = arith.constant false
      %or3A_271 = arith.ori %or3A_270, %eq3A_269 : i1
      %eq3A_272 = arith.cmpi eq, %reduce_min3A_50, %reduce_min3A_100 : i32
      %or3A_273 = arith.ori %or3A_271, %eq3A_272 : i1
      %eq3A_274 = arith.cmpi eq, %reduce_min3A_76, %reduce_min3A_100 : i32
      %or3A_275 = arith.ori %or3A_273, %eq3A_274 : i1
      %select_n3A_276 = arith.select %or3A_275, %select_n3A_266, %reduce_min3A_100 : i32
      %jit3A_277 = arith.constant 1 : i32
      %select_n3A_278 = arith.select %or3A_275, %select_n3A_268, %jit3A_277 : i32
      %eq3A_279 = arith.cmpi eq, %reduce_min3A_27, %reduce_min3A_126 : i32
      %or3A_280 = arith.constant false
      %or3A_281 = arith.ori %or3A_280, %eq3A_279 : i1
      %eq3A_282 = arith.cmpi eq, %reduce_min3A_50, %reduce_min3A_126 : i32
      %or3A_283 = arith.ori %or3A_281, %eq3A_282 : i1
      %eq3A_284 = arith.cmpi eq, %reduce_min3A_76, %reduce_min3A_126 : i32
      %or3A_285 = arith.ori %or3A_283, %eq3A_284 : i1
      %eq3A_286 = arith.cmpi eq, %reduce_min3A_100, %reduce_min3A_126 : i32
      %or3A_287 = arith.ori %or3A_285, %eq3A_286 : i1
      %select_n3A_288 = arith.select %or3A_287, %select_n3A_276, %reduce_min3A_126 : i32
      %jit3A_289 = arith.constant 2 : i32
      %select_n3A_290 = arith.select %or3A_287, %select_n3A_278, %jit3A_289 : i32
      %eq3A_291 = arith.cmpi eq, %reduce_min3A_27, %reduce_min3A_150 : i32
      %or3A_292 = arith.constant false
      %or3A_293 = arith.ori %or3A_292, %eq3A_291 : i1
      %eq3A_294 = arith.cmpi eq, %reduce_min3A_50, %reduce_min3A_150 : i32
      %or3A_295 = arith.ori %or3A_293, %eq3A_294 : i1
      %eq3A_296 = arith.cmpi eq, %reduce_min3A_76, %reduce_min3A_150 : i32
      %or3A_297 = arith.ori %or3A_295, %eq3A_296 : i1
      %eq3A_298 = arith.cmpi eq, %reduce_min3A_100, %reduce_min3A_150 : i32
      %or3A_299 = arith.ori %or3A_297, %eq3A_298 : i1
      %eq3A_300 = arith.cmpi eq, %reduce_min3A_126, %reduce_min3A_150 : i32
      %or3A_301 = arith.ori %or3A_299, %eq3A_300 : i1
      %select_n3A_302 = arith.select %or3A_301, %select_n3A_288, %reduce_min3A_150 : i32
      %jit3A_303 = arith.constant 2 : i32
      %select_n3A_304 = arith.select %or3A_301, %select_n3A_290, %jit3A_303 : i32
      %eq3A_305 = arith.cmpi eq, %reduce_min3A_27, %reduce_min3A_176 : i32
      %or3A_306 = arith.constant false
      %or3A_307 = arith.ori %or3A_306, %eq3A_305 : i1
      %eq3A_308 = arith.cmpi eq, %reduce_min3A_50, %reduce_min3A_176 : i32
      %or3A_309 = arith.ori %or3A_307, %eq3A_308 : i1
      %eq3A_310 = arith.cmpi eq, %reduce_min3A_76, %reduce_min3A_176 : i32
      %or3A_311 = arith.ori %or3A_309, %eq3A_310 : i1
      %eq3A_312 = arith.cmpi eq, %reduce_min3A_100, %reduce_min3A_176 : i32
      %or3A_313 = arith.ori %or3A_311, %eq3A_312 : i1
      %eq3A_314 = arith.cmpi eq, %reduce_min3A_126, %reduce_min3A_176 : i32
      %or3A_315 = arith.ori %or3A_313, %eq3A_314 : i1
      %eq3A_316 = arith.cmpi eq, %reduce_min3A_150, %reduce_min3A_176 : i32
      %or3A_317 = arith.ori %or3A_315, %eq3A_316 : i1
      %select_n3A_318 = arith.select %or3A_317, %select_n3A_302, %reduce_min3A_176 : i32
      %jit3A_319 = arith.constant 3 : i32
      %select_n3A_320 = arith.select %or3A_317, %select_n3A_304, %jit3A_319 : i32
      %eq3A_321 = arith.cmpi eq, %reduce_min3A_27, %reduce_min3A_200 : i32
      %or3A_322 = arith.constant false
      %or3A_323 = arith.ori %or3A_322, %eq3A_321 : i1
      %eq3A_324 = arith.cmpi eq, %reduce_min3A_50, %reduce_min3A_200 : i32
      %or3A_325 = arith.ori %or3A_323, %eq3A_324 : i1
      %eq3A_326 = arith.cmpi eq, %reduce_min3A_76, %reduce_min3A_200 : i32
      %or3A_327 = arith.ori %or3A_325, %eq3A_326 : i1
      %eq3A_328 = arith.cmpi eq, %reduce_min3A_100, %reduce_min3A_200 : i32
      %or3A_329 = arith.ori %or3A_327, %eq3A_328 : i1
      %eq3A_330 = arith.cmpi eq, %reduce_min3A_126, %reduce_min3A_200 : i32
      %or3A_331 = arith.ori %or3A_329, %eq3A_330 : i1
      %eq3A_332 = arith.cmpi eq, %reduce_min3A_150, %reduce_min3A_200 : i32
      %or3A_333 = arith.ori %or3A_331, %eq3A_332 : i1
      %eq3A_334 = arith.cmpi eq, %reduce_min3A_176, %reduce_min3A_200 : i32
      %or3A_335 = arith.ori %or3A_333, %eq3A_334 : i1
      %select_n3A_336 = arith.select %or3A_335, %select_n3A_318, %reduce_min3A_200 : i32
      %jit3A_337 = arith.constant 3 : i32
      %select_n3A_338 = arith.select %or3A_335, %select_n3A_320, %jit3A_337 : i32
      %broadcast_in_dim3A_339 = arith.constant 0 : i32
      %broadcast_in_dim3A_340 = vector.broadcast %broadcast_in_dim3A_339 : i32 to vector<16xi32>
      %broadcast_in_dim3A_341 = arith.constant 0 : i32
      %broadcast_in_dim3A_342 = vector.broadcast %broadcast_in_dim3A_341 : i32 to vector<16xi32>
      %eq3A_343 = arith.constant 0 : i32
      %eq3A_344 = vector.broadcast %eq3A_343 : i32 to vector<16xi32>
      %eq3A_345 = arith.cmpi eq, %iota3A, %eq3A_344 : vector<16xi32>
      %broadcast_in_dim3A_346 = vector.broadcast %reduce_min3A_27 : i32 to vector<16xi32>
      %select_n3A_347 = arith.select %eq3A_345, %broadcast_in_dim3A_346, %broadcast_in_dim3A_340 : vector<16xi1>, vector<16xi32>
      %eq3A_348 = arith.constant 8 : i32
      %eq3A_349 = vector.broadcast %eq3A_348 : i32 to vector<16xi32>
      %eq3A_350 = arith.cmpi eq, %iota3A, %eq3A_349 : vector<16xi32>
      %broadcast_in_dim3A_351 = vector.broadcast %reduce_min3A_27 : i32 to vector<16xi32>
      %select_n3A_352 = arith.select %eq3A_350, %broadcast_in_dim3A_351, %select_n3A_347 : vector<16xi1>, vector<16xi32>
      %eq3A_353 = arith.constant 0 : i32
      %eq3A_354 = vector.broadcast %eq3A_353 : i32 to vector<16xi32>
      %eq3A_355 = arith.cmpi eq, %iota3A, %eq3A_354 : vector<16xi32>
      %jit3A_356 = arith.constant 0 : i32
      %broadcast_in_dim3A_357 = vector.broadcast %jit3A_356 : i32 to vector<16xi32>
      %select_n3A_358 = arith.select %eq3A_355, %broadcast_in_dim3A_357, %broadcast_in_dim3A_342 : vector<16xi1>, vector<16xi32>
      %eq3A_359 = arith.constant 1 : i32
      %eq3A_360 = vector.broadcast %eq3A_359 : i32 to vector<16xi32>
      %eq3A_361 = arith.cmpi eq, %iota3A, %eq3A_360 : vector<16xi32>
      %broadcast_in_dim3A_362 = vector.broadcast %reduce_min3A_50 : i32 to vector<16xi32>
      %select_n3A_363 = arith.select %eq3A_361, %broadcast_in_dim3A_362, %select_n3A_352 : vector<16xi1>, vector<16xi32>
      %eq3A_364 = arith.constant 9 : i32
      %eq3A_365 = vector.broadcast %eq3A_364 : i32 to vector<16xi32>
      %eq3A_366 = arith.cmpi eq, %iota3A, %eq3A_365 : vector<16xi32>
      %broadcast_in_dim3A_367 = vector.broadcast %select_n3A_257 : i32 to vector<16xi32>
      %select_n3A_368 = arith.select %eq3A_366, %broadcast_in_dim3A_367, %select_n3A_363 : vector<16xi1>, vector<16xi32>
      %eq3A_369 = arith.constant 1 : i32
      %eq3A_370 = vector.broadcast %eq3A_369 : i32 to vector<16xi32>
      %eq3A_371 = arith.cmpi eq, %iota3A, %eq3A_370 : vector<16xi32>
      %broadcast_in_dim3A_372 = vector.broadcast %select_n3A_260 : i32 to vector<16xi32>
      %select_n3A_373 = arith.select %eq3A_371, %broadcast_in_dim3A_372, %select_n3A_358 : vector<16xi1>, vector<16xi32>
      %eq3A_374 = arith.constant 2 : i32
      %eq3A_375 = vector.broadcast %eq3A_374 : i32 to vector<16xi32>
      %eq3A_376 = arith.cmpi eq, %iota3A, %eq3A_375 : vector<16xi32>
      %broadcast_in_dim3A_377 = vector.broadcast %reduce_min3A_76 : i32 to vector<16xi32>
      %select_n3A_378 = arith.select %eq3A_376, %broadcast_in_dim3A_377, %select_n3A_368 : vector<16xi1>, vector<16xi32>
      %eq3A_379 = arith.constant 10 : i32
      %eq3A_380 = vector.broadcast %eq3A_379 : i32 to vector<16xi32>
      %eq3A_381 = arith.cmpi eq, %iota3A, %eq3A_380 : vector<16xi32>
      %broadcast_in_dim3A_382 = vector.broadcast %select_n3A_266 : i32 to vector<16xi32>
      %select_n3A_383 = arith.select %eq3A_381, %broadcast_in_dim3A_382, %select_n3A_378 : vector<16xi1>, vector<16xi32>
      %eq3A_384 = arith.constant 2 : i32
      %eq3A_385 = vector.broadcast %eq3A_384 : i32 to vector<16xi32>
      %eq3A_386 = arith.cmpi eq, %iota3A, %eq3A_385 : vector<16xi32>
      %broadcast_in_dim3A_387 = vector.broadcast %select_n3A_268 : i32 to vector<16xi32>
      %select_n3A_388 = arith.select %eq3A_386, %broadcast_in_dim3A_387, %select_n3A_373 : vector<16xi1>, vector<16xi32>
      %eq3A_389 = arith.constant 3 : i32
      %eq3A_390 = vector.broadcast %eq3A_389 : i32 to vector<16xi32>
      %eq3A_391 = arith.cmpi eq, %iota3A, %eq3A_390 : vector<16xi32>
      %broadcast_in_dim3A_392 = vector.broadcast %reduce_min3A_100 : i32 to vector<16xi32>
      %select_n3A_393 = arith.select %eq3A_391, %broadcast_in_dim3A_392, %select_n3A_383 : vector<16xi1>, vector<16xi32>
      %eq3A_394 = arith.constant 11 : i32
      %eq3A_395 = vector.broadcast %eq3A_394 : i32 to vector<16xi32>
      %eq3A_396 = arith.cmpi eq, %iota3A, %eq3A_395 : vector<16xi32>
      %broadcast_in_dim3A_397 = vector.broadcast %select_n3A_276 : i32 to vector<16xi32>
      %select_n3A_398 = arith.select %eq3A_396, %broadcast_in_dim3A_397, %select_n3A_393 : vector<16xi1>, vector<16xi32>
      %eq3A_399 = arith.constant 3 : i32
      %eq3A_400 = vector.broadcast %eq3A_399 : i32 to vector<16xi32>
      %eq3A_401 = arith.cmpi eq, %iota3A, %eq3A_400 : vector<16xi32>
      %broadcast_in_dim3A_402 = vector.broadcast %select_n3A_278 : i32 to vector<16xi32>
      %select_n3A_403 = arith.select %eq3A_401, %broadcast_in_dim3A_402, %select_n3A_388 : vector<16xi1>, vector<16xi32>
      %eq3A_404 = arith.constant 4 : i32
      %eq3A_405 = vector.broadcast %eq3A_404 : i32 to vector<16xi32>
      %eq3A_406 = arith.cmpi eq, %iota3A, %eq3A_405 : vector<16xi32>
      %broadcast_in_dim3A_407 = vector.broadcast %reduce_min3A_126 : i32 to vector<16xi32>
      %select_n3A_408 = arith.select %eq3A_406, %broadcast_in_dim3A_407, %select_n3A_398 : vector<16xi1>, vector<16xi32>
      %eq3A_409 = arith.constant 12 : i32
      %eq3A_410 = vector.broadcast %eq3A_409 : i32 to vector<16xi32>
      %eq3A_411 = arith.cmpi eq, %iota3A, %eq3A_410 : vector<16xi32>
      %broadcast_in_dim3A_412 = vector.broadcast %select_n3A_288 : i32 to vector<16xi32>
      %select_n3A_413 = arith.select %eq3A_411, %broadcast_in_dim3A_412, %select_n3A_408 : vector<16xi1>, vector<16xi32>
      %eq3A_414 = arith.constant 4 : i32
      %eq3A_415 = vector.broadcast %eq3A_414 : i32 to vector<16xi32>
      %eq3A_416 = arith.cmpi eq, %iota3A, %eq3A_415 : vector<16xi32>
      %broadcast_in_dim3A_417 = vector.broadcast %select_n3A_290 : i32 to vector<16xi32>
      %select_n3A_418 = arith.select %eq3A_416, %broadcast_in_dim3A_417, %select_n3A_403 : vector<16xi1>, vector<16xi32>
      %eq3A_419 = arith.constant 5 : i32
      %eq3A_420 = vector.broadcast %eq3A_419 : i32 to vector<16xi32>
      %eq3A_421 = arith.cmpi eq, %iota3A, %eq3A_420 : vector<16xi32>
      %broadcast_in_dim3A_422 = vector.broadcast %reduce_min3A_150 : i32 to vector<16xi32>
      %select_n3A_423 = arith.select %eq3A_421, %broadcast_in_dim3A_422, %select_n3A_413 : vector<16xi1>, vector<16xi32>
      %eq3A_424 = arith.constant 13 : i32
      %eq3A_425 = vector.broadcast %eq3A_424 : i32 to vector<16xi32>
      %eq3A_426 = arith.cmpi eq, %iota3A, %eq3A_425 : vector<16xi32>
      %broadcast_in_dim3A_427 = vector.broadcast %select_n3A_302 : i32 to vector<16xi32>
      %select_n3A_428 = arith.select %eq3A_426, %broadcast_in_dim3A_427, %select_n3A_423 : vector<16xi1>, vector<16xi32>
      %eq3A_429 = arith.constant 5 : i32
      %eq3A_430 = vector.broadcast %eq3A_429 : i32 to vector<16xi32>
      %eq3A_431 = arith.cmpi eq, %iota3A, %eq3A_430 : vector<16xi32>
      %broadcast_in_dim3A_432 = vector.broadcast %select_n3A_304 : i32 to vector<16xi32>
      %select_n3A_433 = arith.select %eq3A_431, %broadcast_in_dim3A_432, %select_n3A_418 : vector<16xi1>, vector<16xi32>
      %eq3A_434 = arith.constant 6 : i32
      %eq3A_435 = vector.broadcast %eq3A_434 : i32 to vector<16xi32>
      %eq3A_436 = arith.cmpi eq, %iota3A, %eq3A_435 : vector<16xi32>
      %broadcast_in_dim3A_437 = vector.broadcast %reduce_min3A_176 : i32 to vector<16xi32>
      %select_n3A_438 = arith.select %eq3A_436, %broadcast_in_dim3A_437, %select_n3A_428 : vector<16xi1>, vector<16xi32>
      %eq3A_439 = arith.constant 14 : i32
      %eq3A_440 = vector.broadcast %eq3A_439 : i32 to vector<16xi32>
      %eq3A_441 = arith.cmpi eq, %iota3A, %eq3A_440 : vector<16xi32>
      %broadcast_in_dim3A_442 = vector.broadcast %select_n3A_318 : i32 to vector<16xi32>
      %select_n3A_443 = arith.select %eq3A_441, %broadcast_in_dim3A_442, %select_n3A_438 : vector<16xi1>, vector<16xi32>
      %eq3A_444 = arith.constant 6 : i32
      %eq3A_445 = vector.broadcast %eq3A_444 : i32 to vector<16xi32>
      %eq3A_446 = arith.cmpi eq, %iota3A, %eq3A_445 : vector<16xi32>
      %broadcast_in_dim3A_447 = vector.broadcast %select_n3A_320 : i32 to vector<16xi32>
      %select_n3A_448 = arith.select %eq3A_446, %broadcast_in_dim3A_447, %select_n3A_433 : vector<16xi1>, vector<16xi32>
      %eq3A_449 = arith.constant 7 : i32
      %eq3A_450 = vector.broadcast %eq3A_449 : i32 to vector<16xi32>
      %eq3A_451 = arith.cmpi eq, %iota3A, %eq3A_450 : vector<16xi32>
      %broadcast_in_dim3A_452 = vector.broadcast %reduce_min3A_200 : i32 to vector<16xi32>
      %select_n3A_453 = arith.select %eq3A_451, %broadcast_in_dim3A_452, %select_n3A_443 : vector<16xi1>, vector<16xi32>
      %eq3A_454 = arith.constant 15 : i32
      %eq3A_455 = vector.broadcast %eq3A_454 : i32 to vector<16xi32>
      %eq3A_456 = arith.cmpi eq, %iota3A, %eq3A_455 : vector<16xi32>
      %broadcast_in_dim3A_457 = vector.broadcast %select_n3A_336 : i32 to vector<16xi32>
      %select_n3A_458 = arith.select %eq3A_456, %broadcast_in_dim3A_457, %select_n3A_453 : vector<16xi1>, vector<16xi32>
      %eq3A_459 = arith.constant 7 : i32
      %eq3A_460 = vector.broadcast %eq3A_459 : i32 to vector<16xi32>
      %eq3A_461 = arith.cmpi eq, %iota3A, %eq3A_460 : vector<16xi32>
      %broadcast_in_dim3A_462 = vector.broadcast %select_n3A_338 : i32 to vector<16xi32>
      %select_n3A_463 = arith.select %eq3A_461, %broadcast_in_dim3A_462, %select_n3A_448 : vector<16xi1>, vector<16xi32>
      %swap3A = arith.constant 0 : index
      %swap3A_464 = tpu.vector_load %arg6[%swap3A] {strides = array<i32>} : memref<32xi32, #tpu.memory_space<vmem>>, vector<16xi32>,
      tpu.vector_store %arg6[%swap3A], %select_n3A_458 {strides = array<i32>} : memref<32xi32, #tpu.memory_space<vmem>>, vector<16xi32>,
      %swap3A_465 = arith.constant 16 : index
      %swap3A_466 = tpu.vector_load %arg6[%swap3A_465] {strides = array<i32>} : memref<32xi32, #tpu.memory_space<vmem>>, vector<16xi32>,
      tpu.vector_store %arg6[%swap3A_465], %select_n3A_463 {strides = array<i32>} : memref<32xi32, #tpu.memory_space<vmem>>, vector<16xi32>,
      %swap3A_467 = arith.constant 0 : index
      %swap3A_468 = tpu.vector_load %arg7[%swap3A_467] {strides = array<i32>} : memref<16xf32, #tpu.memory_space<vmem>>, vector<16xf32>,
      tpu.vector_store %arg7[%swap3A_467], %div3A_254 {strides = array<i32>} : memref<16xf32, #tpu.memory_space<vmem>>, vector<16xf32>,
      "tpu.region"() ({
        %run_scoped3A = tpu.sem_alloc : memref<!tpu.dma_semaphore, #tpu.memory_space<semaphore_mem>>
        tpu.enqueue_dma source(%arg6 : memref<32xi32, #tpu.memory_space<vmem>>) target(%arg3 : memref<32xi32, #tpu.memory_space<hbm>>) target_semaphore(%run_scoped3A : memref<!tpu.dma_semaphore, #tpu.memory_space<semaphore_mem>>)
        tpu.wait_dma2 semaphore(%run_scoped3A : memref<!tpu.dma_semaphore, #tpu.memory_space<semaphore_mem>>) src(%arg6 : memref<32xi32, #tpu.memory_space<vmem>>) dst(%arg3 : memref<32xi32, #tpu.memory_space<hbm>>)
        tpu.yield
      }) : () -> ()
      "tpu.region"() ({
        %run_scoped3A = tpu.sem_alloc : memref<!tpu.dma_semaphore, #tpu.memory_space<semaphore_mem>>
        tpu.enqueue_dma source(%arg7 : memref<16xf32, #tpu.memory_space<vmem>>) target(%arg4 : memref<16xf32, #tpu.memory_space<hbm>>) target_semaphore(%run_scoped3A : memref<!tpu.dma_semaphore, #tpu.memory_space<semaphore_mem>>)
        tpu.wait_dma2 semaphore(%run_scoped3A : memref<!tpu.dma_semaphore, #tpu.memory_space<semaphore_mem>>) src(%arg7 : memref<16xf32, #tpu.memory_space<vmem>>) dst(%arg4 : memref<16xf32, #tpu.memory_space<hbm>>)
        tpu.yield
      }) : () -> ()
    } else {
    }
    return
  }
}

module attributes {stable_mosaic.version = 14 : i64} {
  func.func @_routing_kernel(%arg0: i32, %arg1: memref<1x2048x1024xf32, #tpu.memory_space<vmem>>, %arg2: memref<1024x8xf32, #tpu.memory_space<vmem>>, %arg3: memref<1x8xf32, #tpu.memory_space<vmem>>, %arg4: memref<1024x8xf32, #tpu.memory_space<vmem>>, %arg5: memref<1x8xf32, #tpu.memory_space<vmem>>, %arg6: memref<4x8xf32, #tpu.memory_space<vmem>>, %arg7: memref<4x8xf32, #tpu.memory_space<vmem>>, %arg8: memref<4x1024xf32, #tpu.memory_space<vmem>>) attributes {dimension_semantics = [#tpu.dimension_semantics<arbitrary>], iteration_bounds = array<i64: 4>, scalar_prefetch = 0 : i64, scratch_operands = 1 : i64, tpu.core_type = #tpu.core_type<tc>, window_params = [{transform_indices = @transform_0, window_bounds = array<i64: 1, 2048, 1024>}, {pipeline_mode = #tpu.pipeline_mode<synchronous>, transform_indices = @transform_1, window_bounds = array<i64: 1024, 8>}, {pipeline_mode = #tpu.pipeline_mode<synchronous>, transform_indices = @transform_2, window_bounds = array<i64: 1, 8>}, {pipeline_mode = #tpu.pipeline_mode<synchronous>, transform_indices = @transform_3, window_bounds = array<i64: 1024, 8>}, {pipeline_mode = #tpu.pipeline_mode<synchronous>, transform_indices = @transform_4, window_bounds = array<i64: 1, 8>}, {pipeline_mode = #tpu.pipeline_mode<synchronous>, transform_indices = @transform_5, window_bounds = array<i64: 4, 8>}, {pipeline_mode = #tpu.pipeline_mode<synchronous>, transform_indices = @transform_6, window_bounds = array<i64: 4, 8>}]} {
    %get3A = arith.constant 0 : index
    %get3A_0 = arith.constant 0 : index
    %get3A_1 = arith.constant 0 : index
    %get3A_2 = vector.load %arg1[%get3A, %get3A_0, %get3A_1] : memref<1x2048x1024xf32, #tpu.memory_space<vmem>>, vector<1x2048x1024xf32>
    %get3A_3 = vector.shape_cast %get3A_2 : vector<1x2048x1024xf32> to vector<2048x1024xf32>
    %reduce_sum3A = arith.constant dense<0.000000e+00> : vector<1024xf32>
    %reduce_sum3A_4 = vector.multi_reduction <add>, %get3A_3, %reduce_sum3A [0] : vector<2048x1024xf32> to vector<1024xf32>
    %broadcast_in_dim3A = vector.shape_cast %reduce_sum3A_4 : vector<1024xf32> to vector<1x1024xf32>
    %div3A = arith.constant 2.048000e+03 : f32
    %div3A_5 = vector.broadcast %div3A : f32 to vector<1x1024xf32>
    %div3A_6 = arith.divf %broadcast_in_dim3A, %div3A_5 : vector<1x1024xf32>
    %swap3A = arith.index_cast %arg0 : i32 to index
    %swap3A_7 = arith.constant 0 : index
    %swap3A_8 = vector.load %arg8[%swap3A, %swap3A_7] : memref<4x1024xf32, #tpu.memory_space<vmem>>, vector<1x1024xf32>
    tpu.vector_store %arg8[%swap3A, %swap3A_7], %div3A_6 {strides = array<i32>} : memref<4x1024xf32, #tpu.memory_space<vmem>>, vector<1x1024xf32>,
    %eq3A = arith.constant 3 : i32
    %eq3A_9 = arith.cmpi eq, %arg0, %eq3A : i32
    %convert_element_type3A = arith.extui %eq3A_9 : i1 to i32
    %cond3A = arith.constant 0 : i32
    %cond3A_10 = arith.cmpi ne, %convert_element_type3A, %cond3A : i32
    scf.if %cond3A_10 {
      %get3A_11 = arith.constant 0 : index
      %get3A_12 = arith.constant 0 : index
      %get3A_13 = vector.load %arg8[%get3A_11, %get3A_12] : memref<4x1024xf32, #tpu.memory_space<vmem>>, vector<4x1024xf32>
      %get3A_14 = arith.constant 0 : index
      %get3A_15 = arith.constant 0 : index
      %get3A_16 = vector.load %arg2[%get3A_14, %get3A_15] : memref<1024x8xf32, #tpu.memory_space<vmem>>, vector<1024x8xf32>
      %dot_general3A = arith.constant dense<0.000000e+00> : vector<4x8xf32>
      %dot_general3A_17 = tpu.matmul %get3A_13, %get3A_16, %dot_general3A {dimension_numbers = #tpu.dot_dimension_numbers<[1], [0], [0], [1], [0, 0, 1, 1], [], []>, transpose_lhs_hint = false} : vector<4x1024xf32>, vector<1024x8xf32>, vector<4x8xf32> -> vector<4x8xf32>
      %get3A_18 = arith.constant 0 : index
      %get3A_19 = arith.constant 0 : index
      %get3A_20 = vector.load %arg3[%get3A_18, %get3A_19] : memref<1x8xf32, #tpu.memory_space<vmem>>, vector<1x8xf32>
      %add3A = vector.broadcast %get3A_20 : vector<1x8xf32> to vector<4x8xf32>
      %add3A_21 = arith.addf %dot_general3A_17, %add3A : vector<4x8xf32>
      %get3A_22 = arith.constant 0 : index
      %get3A_23 = arith.constant 0 : index
      %get3A_24 = vector.load %arg4[%get3A_22, %get3A_23] : memref<1024x8xf32, #tpu.memory_space<vmem>>, vector<1024x8xf32>
      %dot_general3A_25 = arith.constant dense<0.000000e+00> : vector<4x8xf32>
      %dot_general3A_26 = tpu.matmul %get3A_13, %get3A_24, %dot_general3A_25 {dimension_numbers = #tpu.dot_dimension_numbers<[1], [0], [0], [1], [0, 0, 1, 1], [], []>, transpose_lhs_hint = false} : vector<4x1024xf32>, vector<1024x8xf32>, vector<4x8xf32> -> vector<4x8xf32>
      %get3A_27 = arith.constant 0 : index
      %get3A_28 = arith.constant 0 : index
      %get3A_29 = vector.load %arg5[%get3A_27, %get3A_28] : memref<1x8xf32, #tpu.memory_space<vmem>>, vector<1x8xf32>
      %add3A_30 = vector.broadcast %get3A_29 : vector<1x8xf32> to vector<4x8xf32>
      %add3A_31 = arith.addf %dot_general3A_26, %add3A_30 : vector<4x8xf32>
      %custom_jvp_call3A = arith.constant 0.000000e+00 : f32
      %max3A = vector.broadcast %custom_jvp_call3A : f32 to vector<4x8xf32>
      %max3A_32 = arith.maximumf %add3A_31, %max3A : vector<4x8xf32>
      %sub3A = vector.broadcast %custom_jvp_call3A : f32 to vector<4x8xf32>
      %sub3A_33 = arith.subf %add3A_31, %sub3A : vector<4x8xf32>
      %ne3A = arith.cmpf one, %sub3A_33, %sub3A_33 : vector<4x8xf32>
      %add3A_34 = vector.broadcast %custom_jvp_call3A : f32 to vector<4x8xf32>
      %add3A_35 = arith.addf %add3A_31, %add3A_34 : vector<4x8xf32>
      %abs3A = math.absf %sub3A_33 : vector<4x8xf32>
      %neg3A = arith.constant 0.000000e+00 : f32
      %neg3A_36 = vector.broadcast %neg3A : f32 to vector<4x8xf32>
      %neg3A_37 = arith.subf %neg3A_36, %abs3A : vector<4x8xf32>
      %exp3A = math.exp %neg3A_37 : vector<4x8xf32>
      %log1p3A = math.log1p %exp3A : vector<4x8xf32>
      %add3A_38 = arith.addf %max3A_32, %log1p3A : vector<4x8xf32>
      %select_n3A = arith.select %ne3A, %add3A_35, %add3A_38 : vector<4x8xi1>, vector<4x8xf32>
      %get3A_39 = arith.constant 0 : index
      %get3A_40 = arith.constant 0 : index
      %get3A_41 = vector.load %arg6[%get3A_39, %get3A_40] : memref<4x8xf32, #tpu.memory_space<vmem>>, vector<4x8xf32>
      %mul3A = arith.mulf %get3A_41, %select_n3A : vector<4x8xf32>
      %add3A_42 = arith.addf %add3A_21, %mul3A : vector<4x8xf32>
      %swap3A_43 = arith.constant 0 : index
      %swap3A_44 = arith.constant 0 : index
      %swap3A_45 = vector.load %arg7[%swap3A_43, %swap3A_44] : memref<4x8xf32, #tpu.memory_space<vmem>>, vector<4x8xf32>
      tpu.vector_store %arg7[%swap3A_43, %swap3A_44], %add3A_42 {strides = array<i32>} : memref<4x8xf32, #tpu.memory_space<vmem>>, vector<4x8xf32>,
    } else {
    }
    return
  }
  func.func @transform_0(%arg0: i32) -> (i32, i32, i32) {
    %c0_i32 = arith.constant 0 : i32
    %c0_i32_0 = arith.constant 0 : i32
    %c0_i32_1 = arith.constant 0 : i32
    return %arg0, %c0_i32, %c0_i32_0 : i32, i32, i32
  }
  func.func @transform_1(%arg0: i32) -> (i32, i32) {
    %c0_i32 = arith.constant 0 : i32
    %c0_i32_0 = arith.constant 0 : i32
    %c0_i32_1 = arith.constant 0 : i32
    return %c0_i32, %c0_i32_0 : i32, i32
  }
  func.func @transform_2(%arg0: i32) -> (i32, i32) {
    %c0_i32 = arith.constant 0 : i32
    %c0_i32_0 = arith.constant 0 : i32
    %c0_i32_1 = arith.constant 0 : i32
    return %c0_i32, %c0_i32_0 : i32, i32
  }
  func.func @transform_3(%arg0: i32) -> (i32, i32) {
    %c0_i32 = arith.constant 0 : i32
    %c0_i32_0 = arith.constant 0 : i32
    %c0_i32_1 = arith.constant 0 : i32
    return %c0_i32, %c0_i32_0 : i32, i32
  }
  func.func @transform_4(%arg0: i32) -> (i32, i32) {
    %c0_i32 = arith.constant 0 : i32
    %c0_i32_0 = arith.constant 0 : i32
    %c0_i32_1 = arith.constant 0 : i32
    return %c0_i32, %c0_i32_0 : i32, i32
  }
  func.func @transform_5(%arg0: i32) -> (i32, i32) {
    %c0_i32 = arith.constant 0 : i32
    %c0_i32_0 = arith.constant 0 : i32
    %c0_i32_1 = arith.constant 0 : i32
    return %c0_i32, %c0_i32_0 : i32, i32
  }
  func.func @transform_6(%arg0: i32) -> (i32, i32) {
    %c0_i32 = arith.constant 0 : i32
    %c0_i32_0 = arith.constant 0 : i32
    %c0_i32_1 = arith.constant 0 : i32
    return %c0_i32, %c0_i32_0 : i32, i32
  }
}

module attributes {stable_mosaic.version = 14 : i64} {
  func.func @_ffn_kernel(%arg0: i32, %arg1: i32, %arg2: i32, %arg3: i32, %arg4: memref<4x2xi32, #tpu.memory_space<smem>>, %arg5: memref<4x2xi32, #tpu.memory_space<smem>>, %arg6: memref<4x2xi32, #tpu.memory_space<smem>>, %arg7: memref<4x2xf32, #tpu.memory_space<smem>>, %arg8: memref<1x512x1024xf32, #tpu.memory_space<vmem>>, %arg9: memref<1x1024x2048xf32, #tpu.memory_space<vmem>>, %arg10: memref<1x2048x1024xf32, #tpu.memory_space<vmem>>, %arg11: memref<1x1x2048xf32, #tpu.memory_space<vmem>>, %arg12: memref<1x1x1024xf32, #tpu.memory_space<vmem>>, %arg13: memref<1x2048x1024xf32, #tpu.memory_space<vmem>>) attributes {dimension_semantics = [#tpu.dimension_semantics<arbitrary>, #tpu.dimension_semantics<arbitrary>, #tpu.dimension_semantics<arbitrary>, #tpu.dimension_semantics<arbitrary>], iteration_bounds = array<i64: 4, 2, 2, 4>, scalar_prefetch = 3 : i64, scratch_operands = 0 : i64, tpu.core_type = #tpu.core_type<tc>, window_params = [{transform_indices = @transform_0, window_bounds = array<i64: 4, 2>}, {transform_indices = @transform_1, window_bounds = array<i64: 1, 512, 1024>}, {transform_indices = @transform_2, window_bounds = array<i64: 1, 1024, 2048>}, {transform_indices = @transform_3, window_bounds = array<i64: 1, 2048, 1024>}, {transform_indices = @transform_4, window_bounds = array<i64: 1, 1, 2048>}, {transform_indices = @transform_5, window_bounds = array<i64: 1, 1, 1024>}, {transform_indices = @transform_6, window_bounds = array<i64: 1, 2048, 1024>}]} {
    %get3A = arith.index_cast %arg0 : i32 to index
    %get3A_0 = arith.index_cast %arg1 : i32 to index
    %get3A_1 = memref.load %arg4[%get3A, %get3A_0] : memref<4x2xi32, #tpu.memory_space<smem>>
    %mul3A = arith.constant 2 : i32
    %mul3A_2 = arith.muli %arg0, %mul3A : i32
    %add3A = arith.addi %mul3A_2, %arg1 : i32
    %gt3A = arith.constant 0 : i32
    %gt3A_3 = arith.cmpi sgt, %add3A, %gt3A : i32
    %get3A_4 = arith.constant 0 : index
    %get3A_5 = arith.constant 0 : index
    %get3A_6 = memref.load %arg4[%get3A_4, %get3A_5] : memref<4x2xi32, #tpu.memory_space<smem>>
    %eq3A = arith.cmpi eq, %get3A_6, %get3A_1 : i32
    %and3A = arith.andi %gt3A_3, %eq3A : i1
    %or3A = arith.constant false
    %or3A_7 = arith.ori %or3A, %and3A : i1
    %mul3A_8 = arith.constant 2 : i32
    %mul3A_9 = arith.muli %arg0, %mul3A_8 : i32
    %add3A_10 = arith.addi %mul3A_9, %arg1 : i32
    %gt3A_11 = arith.constant 1 : i32
    %gt3A_12 = arith.cmpi sgt, %add3A_10, %gt3A_11 : i32
    %get3A_13 = arith.constant 0 : index
    %get3A_14 = arith.constant 1 : index
    %get3A_15 = memref.load %arg4[%get3A_13, %get3A_14] : memref<4x2xi32, #tpu.memory_space<smem>>
    %eq3A_16 = arith.cmpi eq, %get3A_15, %get3A_1 : i32
    %and3A_17 = arith.andi %gt3A_12, %eq3A_16 : i1
    %or3A_18 = arith.ori %or3A_7, %and3A_17 : i1
    %mul3A_19 = arith.constant 2 : i32
    %mul3A_20 = arith.muli %arg0, %mul3A_19 : i32
    %add3A_21 = arith.addi %mul3A_20, %arg1 : i32
    %gt3A_22 = arith.constant 2 : i32
    %gt3A_23 = arith.cmpi sgt, %add3A_21, %gt3A_22 : i32
    %get3A_24 = arith.constant 1 : index
    %get3A_25 = arith.constant 0 : index
    %get3A_26 = memref.load %arg4[%get3A_24, %get3A_25] : memref<4x2xi32, #tpu.memory_space<smem>>
    %eq3A_27 = arith.cmpi eq, %get3A_26, %get3A_1 : i32
    %and3A_28 = arith.andi %gt3A_23, %eq3A_27 : i1
    %or3A_29 = arith.ori %or3A_18, %and3A_28 : i1
    %mul3A_30 = arith.constant 2 : i32
    %mul3A_31 = arith.muli %arg0, %mul3A_30 : i32
    %add3A_32 = arith.addi %mul3A_31, %arg1 : i32
    %gt3A_33 = arith.constant 3 : i32
    %gt3A_34 = arith.cmpi sgt, %add3A_32, %gt3A_33 : i32
    %get3A_35 = arith.constant 1 : index
    %get3A_36 = arith.constant 1 : index
    %get3A_37 = memref.load %arg4[%get3A_35, %get3A_36] : memref<4x2xi32, #tpu.memory_space<smem>>
    %eq3A_38 = arith.cmpi eq, %get3A_37, %get3A_1 : i32
    %and3A_39 = arith.andi %gt3A_34, %eq3A_38 : i1
    %or3A_40 = arith.ori %or3A_29, %and3A_39 : i1
    %mul3A_41 = arith.constant 2 : i32
    %mul3A_42 = arith.muli %arg0, %mul3A_41 : i32
    %add3A_43 = arith.addi %mul3A_42, %arg1 : i32
    %gt3A_44 = arith.constant 4 : i32
    %gt3A_45 = arith.cmpi sgt, %add3A_43, %gt3A_44 : i32
    %get3A_46 = arith.constant 2 : index
    %get3A_47 = arith.constant 0 : index
    %get3A_48 = memref.load %arg4[%get3A_46, %get3A_47] : memref<4x2xi32, #tpu.memory_space<smem>>
    %eq3A_49 = arith.cmpi eq, %get3A_48, %get3A_1 : i32
    %and3A_50 = arith.andi %gt3A_45, %eq3A_49 : i1
    %or3A_51 = arith.ori %or3A_40, %and3A_50 : i1
    %mul3A_52 = arith.constant 2 : i32
    %mul3A_53 = arith.muli %arg0, %mul3A_52 : i32
    %add3A_54 = arith.addi %mul3A_53, %arg1 : i32
    %gt3A_55 = arith.constant 5 : i32
    %gt3A_56 = arith.cmpi sgt, %add3A_54, %gt3A_55 : i32
    %get3A_57 = arith.constant 2 : index
    %get3A_58 = arith.constant 1 : index
    %get3A_59 = memref.load %arg4[%get3A_57, %get3A_58] : memref<4x2xi32, #tpu.memory_space<smem>>
    %eq3A_60 = arith.cmpi eq, %get3A_59, %get3A_1 : i32
    %and3A_61 = arith.andi %gt3A_56, %eq3A_60 : i1
    %or3A_62 = arith.ori %or3A_51, %and3A_61 : i1
    %mul3A_63 = arith.constant 2 : i32
    %mul3A_64 = arith.muli %arg0, %mul3A_63 : i32
    %add3A_65 = arith.addi %mul3A_64, %arg1 : i32
    %gt3A_66 = arith.constant 6 : i32
    %gt3A_67 = arith.cmpi sgt, %add3A_65, %gt3A_66 : i32
    %get3A_68 = arith.constant 3 : index
    %get3A_69 = arith.constant 0 : index
    %get3A_70 = memref.load %arg4[%get3A_68, %get3A_69] : memref<4x2xi32, #tpu.memory_space<smem>>
    %eq3A_71 = arith.cmpi eq, %get3A_70, %get3A_1 : i32
    %and3A_72 = arith.andi %gt3A_67, %eq3A_71 : i1
    %or3A_73 = arith.ori %or3A_62, %and3A_72 : i1
    %mul3A_74 = arith.constant 2 : i32
    %mul3A_75 = arith.muli %arg0, %mul3A_74 : i32
    %add3A_76 = arith.addi %mul3A_75, %arg1 : i32
    %gt3A_77 = arith.constant 7 : i32
    %gt3A_78 = arith.cmpi sgt, %add3A_76, %gt3A_77 : i32
    %get3A_79 = arith.constant 3 : index
    %get3A_80 = arith.constant 1 : index
    %get3A_81 = memref.load %arg4[%get3A_79, %get3A_80] : memref<4x2xi32, #tpu.memory_space<smem>>
    %eq3A_82 = arith.cmpi eq, %get3A_81, %get3A_1 : i32
    %and3A_83 = arith.andi %gt3A_78, %eq3A_82 : i1
    %or3A_84 = arith.ori %or3A_73, %and3A_83 : i1
    %not3A = arith.constant true
    %not3A_85 = arith.xori %or3A_84, %not3A : i1
    %mul3A_86 = arith.constant 512 : i32
    %mul3A_87 = arith.muli %arg3, %mul3A_86 : i32
    %eq3A_88 = arith.constant 0 : i32
    %eq3A_89 = arith.cmpi eq, %arg1, %eq3A_88 : i32
    %eq3A_90 = arith.constant 0 : i32
    %eq3A_91 = arith.cmpi eq, %arg2, %eq3A_90 : i32
    %and3A_92 = arith.andi %eq3A_89, %eq3A_91 : i1
    %not3A_93 = arith.constant true
    %not3A_94 = arith.xori %not3A_85, %not3A_93 : i1
    %and3A_95 = arith.andi %and3A_92, %not3A_94 : i1
    %convert_element_type3A = arith.extui %and3A_95 : i1 to i32
    %cond3A = arith.constant 0 : i32
    %cond3A_96 = arith.cmpi ne, %convert_element_type3A, %cond3A : i32
    scf.if %cond3A_96 {
      %broadcast_in_dim3A = arith.constant 0.000000e+00 : f32
      %broadcast_in_dim3A_100 = vector.broadcast %broadcast_in_dim3A : f32 to vector<512x1024xf32>
      %swap3A = arith.constant 0 : index
      %swap3A_101 = arith.index_cast %mul3A_87 : i32 to index
      %swap3A_102 = arith.constant 0 : index
      %swap3A_103 = vector.load %arg13[%swap3A, %swap3A_101, %swap3A_102] : memref<1x2048x1024xf32, #tpu.memory_space<vmem>>, vector<1x512x1024xf32>
      %swap3A_104 = vector.shape_cast %swap3A_103 : vector<1x512x1024xf32> to vector<512x1024xf32>
      %swap3A_105 = vector.shape_cast %broadcast_in_dim3A_100 : vector<512x1024xf32> to vector<1x512x1024xf32>
      tpu.vector_store %arg13[%swap3A, %swap3A_101, %swap3A_102], %swap3A_105 {strides = array<i32>} : memref<1x2048x1024xf32, #tpu.memory_space<vmem>>, vector<1x512x1024xf32>,
    } else {
    }
    %convert_element_type3A_97 = arith.extui %not3A_85 : i1 to i32
    %cond3A_98 = arith.constant 0 : i32
    %cond3A_99 = arith.cmpi ne, %convert_element_type3A_97, %cond3A_98 : i32
    scf.if %cond3A_99 {
      %get3A_100 = arith.index_cast %arg0 : i32 to index
      %get3A_101 = arith.index_cast %arg1 : i32 to index
      %get3A_102 = memref.load %arg7[%get3A_100, %get3A_101] : memref<4x2xf32, #tpu.memory_space<smem>>
      %get3A_103 = arith.constant 0 : index
      %get3A_104 = arith.constant 0 : index
      %get3A_105 = arith.constant 0 : index
      %get3A_106 = vector.load %arg8[%get3A_103, %get3A_104, %get3A_105] : memref<1x512x1024xf32, #tpu.memory_space<vmem>>, vector<1x512x1024xf32>
      %get3A_107 = vector.shape_cast %get3A_106 : vector<1x512x1024xf32> to vector<512x1024xf32>
      %get3A_108 = arith.constant 0 : index
      %get3A_109 = arith.constant 0 : index
      %get3A_110 = arith.constant 0 : index
      %get3A_111 = vector.load %arg9[%get3A_108, %get3A_109, %get3A_110] : memref<1x1024x2048xf32, #tpu.memory_space<vmem>>, vector<1x1024x2048xf32>
      %get3A_112 = vector.shape_cast %get3A_111 : vector<1x1024x2048xf32> to vector<1024x2048xf32>
      %dot_general3A = arith.constant dense<0.000000e+00> : vector<512x2048xf32>
      %dot_general3A_113 = tpu.matmul %get3A_107, %get3A_112, %dot_general3A {dimension_numbers = #tpu.dot_dimension_numbers<[1], [0], [0], [1], [0, 0, 1, 1], [], []>, transpose_lhs_hint = false} : vector<512x1024xf32>, vector<1024x2048xf32>, vector<512x2048xf32> -> vector<512x2048xf32>
      %get3A_114 = arith.constant 0 : index
      %get3A_115 = arith.constant 0 : index
      %get3A_116 = arith.constant 0 : index
      %get3A_117 = vector.load %arg11[%get3A_114, %get3A_115, %get3A_116] : memref<1x1x2048xf32, #tpu.memory_space<vmem>>, vector<1x1x2048xf32>
      %get3A_118 = vector.shape_cast %get3A_117 : vector<1x1x2048xf32> to vector<1x2048xf32>
      %add3A_119 = vector.broadcast %get3A_118 : vector<1x2048xf32> to vector<512x2048xf32>
      %add3A_120 = arith.addf %dot_general3A_113, %add3A_119 : vector<512x2048xf32>
      %mul3A_121 = arith.constant 5.000000e-01 : f32
      %mul3A_122 = vector.broadcast %mul3A_121 : f32 to vector<512x2048xf32>
      %mul3A_123 = arith.mulf %mul3A_122, %add3A_120 : vector<512x2048xf32>
      %mul3A_124 = arith.constant 0.707106769 : f32
      %mul3A_125 = vector.broadcast %mul3A_124 : f32 to vector<512x2048xf32>
      %mul3A_126 = arith.mulf %add3A_120, %mul3A_125 : vector<512x2048xf32>
      %erf3A = math.erf %mul3A_126 : vector<512x2048xf32>
      %add3A_127 = arith.constant 1.000000e+00 : f32
      %add3A_128 = vector.broadcast %add3A_127 : f32 to vector<512x2048xf32>
      %add3A_129 = arith.addf %add3A_128, %erf3A : vector<512x2048xf32>
      %mul3A_130 = arith.mulf %mul3A_123, %add3A_129 : vector<512x2048xf32>
      %get3A_131 = arith.constant 0 : index
      %get3A_132 = arith.constant 0 : index
      %get3A_133 = arith.constant 0 : index
      %get3A_134 = vector.load %arg10[%get3A_131, %get3A_132, %get3A_133] : memref<1x2048x1024xf32, #tpu.memory_space<vmem>>, vector<1x2048x1024xf32>
      %get3A_135 = vector.shape_cast %get3A_134 : vector<1x2048x1024xf32> to vector<2048x1024xf32>
      %dot_general3A_136 = arith.constant dense<0.000000e+00> : vector<512x1024xf32>
      %dot_general3A_137 = tpu.matmul %mul3A_130, %get3A_135, %dot_general3A_136 {dimension_numbers = #tpu.dot_dimension_numbers<[1], [0], [0], [1], [0, 0, 1, 1], [], []>, transpose_lhs_hint = false} : vector<512x2048xf32>, vector<2048x1024xf32>, vector<512x1024xf32> -> vector<512x1024xf32>
      %eq3A_138 = arith.constant 0 : i32
      %eq3A_139 = arith.cmpi eq, %arg2, %eq3A_138 : i32
      %get3A_140 = arith.constant 0 : index
      %get3A_141 = arith.constant 0 : index
      %get3A_142 = arith.constant 0 : index
      %get3A_143 = vector.load %arg12[%get3A_140, %get3A_141, %get3A_142] : memref<1x1x1024xf32, #tpu.memory_space<vmem>>, vector<1x1x1024xf32>
      %get3A_144 = vector.shape_cast %get3A_143 : vector<1x1x1024xf32> to vector<1x1024xf32>
      %add3A_145 = vector.broadcast %get3A_144 : vector<1x1024xf32> to vector<512x1024xf32>
      %add3A_146 = arith.addf %dot_general3A_137, %add3A_145 : vector<512x1024xf32>
      %select_n3A = arith.select %eq3A_139, %add3A_146, %dot_general3A_137 : vector<512x1024xf32>
      %mul3A_147 = vector.broadcast %get3A_102 : f32 to vector<512x1024xf32>
      %mul3A_148 = arith.mulf %select_n3A, %mul3A_147 : vector<512x1024xf32>
      %convert_element_type3A_149 = arith.extui %and3A_92 : i1 to i32
      %cond3A_150 = arith.constant 0 : i32
      %cond3A_151 = arith.cmpi ne, %convert_element_type3A_149, %cond3A_150 : i32
      scf.if %cond3A_151 {
        %swap3A = arith.constant 0 : index
        %swap3A_157 = arith.index_cast %mul3A_87 : i32 to index
        %swap3A_158 = arith.constant 0 : index
        %swap3A_159 = vector.load %arg13[%swap3A, %swap3A_157, %swap3A_158] : memref<1x2048x1024xf32, #tpu.memory_space<vmem>>, vector<1x512x1024xf32>
        %swap3A_160 = vector.shape_cast %swap3A_159 : vector<1x512x1024xf32> to vector<512x1024xf32>
        %swap3A_161 = vector.shape_cast %mul3A_148 : vector<512x1024xf32> to vector<1x512x1024xf32>
        tpu.vector_store %arg13[%swap3A, %swap3A_157, %swap3A_158], %swap3A_161 {strides = array<i32>} : memref<1x2048x1024xf32, #tpu.memory_space<vmem>>, vector<1x512x1024xf32>,
      } else {
      }
      %not3A_152 = arith.constant true
      %not3A_153 = arith.xori %and3A_92, %not3A_152 : i1
      %convert_element_type3A_154 = arith.extui %not3A_153 : i1 to i32
      %cond3A_155 = arith.constant 0 : i32
      %cond3A_156 = arith.cmpi ne, %convert_element_type3A_154, %cond3A_155 : i32
      scf.if %cond3A_156 {
        %get3A_157 = arith.constant 0 : index
        %get3A_158 = arith.index_cast %mul3A_87 : i32 to index
        %get3A_159 = arith.constant 0 : index
        %get3A_160 = vector.load %arg13[%get3A_157, %get3A_158, %get3A_159] : memref<1x2048x1024xf32, #tpu.memory_space<vmem>>, vector<1x512x1024xf32>
        %get3A_161 = vector.shape_cast %get3A_160 : vector<1x512x1024xf32> to vector<512x1024xf32>
        %add3A_162 = arith.addf %get3A_161, %mul3A_148 : vector<512x1024xf32>
        %swap3A = arith.constant 0 : index
        %swap3A_163 = arith.index_cast %mul3A_87 : i32 to index
        %swap3A_164 = arith.constant 0 : index
        %swap3A_165 = vector.load %arg13[%swap3A, %swap3A_163, %swap3A_164] : memref<1x2048x1024xf32, #tpu.memory_space<vmem>>, vector<1x512x1024xf32>
        %swap3A_166 = vector.shape_cast %swap3A_165 : vector<1x512x1024xf32> to vector<512x1024xf32>
        %swap3A_167 = vector.shape_cast %add3A_162 : vector<512x1024xf32> to vector<1x512x1024xf32>
        tpu.vector_store %arg13[%swap3A, %swap3A_163, %swap3A_164], %swap3A_167 {strides = array<i32>} : memref<1x2048x1024xf32, #tpu.memory_space<vmem>>, vector<1x512x1024xf32>,
      } else {
      }
    } else {
    }
    return
  }
  func.func @transform_0(%arg0: i32, %arg1: i32, %arg2: i32, %arg3: i32, %arg4: memref<4x2xi32, #tpu.memory_space<smem>>, %arg5: memref<4x2xi32, #tpu.memory_space<smem>>, %arg6: memref<4x2xi32, #tpu.memory_space<smem>>) -> (i32, i32) {
    %c0_i32 = arith.constant 0 : i32
    %c0_i32_0 = arith.constant 0 : i32
    %c0_i32_1 = arith.constant 0 : i32
    return %c0_i32, %c0_i32_0 : i32, i32
  }
  func.func @transform_1(%arg0: i32, %arg1: i32, %arg2: i32, %arg3: i32, %arg4: memref<4x2xi32, #tpu.memory_space<smem>>, %arg5: memref<4x2xi32, #tpu.memory_space<smem>>, %arg6: memref<4x2xi32, #tpu.memory_space<smem>>) -> (i32, i32, i32) {
    %get3A = arith.index_cast %arg0 : i32 to index
    %get3A_0 = arith.index_cast %arg1 : i32 to index
    %get3A_1 = memref.load %arg6[%get3A, %get3A_0] : memref<4x2xi32, #tpu.memory_space<smem>>
    %c0_i32 = arith.constant 0 : i32
    %c0_i32_2 = arith.constant 0 : i32
    return %get3A_1, %arg3, %c0_i32 : i32, i32, i32
  }
  func.func @transform_2(%arg0: i32, %arg1: i32, %arg2: i32, %arg3: i32, %arg4: memref<4x2xi32, #tpu.memory_space<smem>>, %arg5: memref<4x2xi32, #tpu.memory_space<smem>>, %arg6: memref<4x2xi32, #tpu.memory_space<smem>>) -> (i32, i32, i32) {
    %get3A = arith.index_cast %arg0 : i32 to index
    %get3A_0 = arith.index_cast %arg1 : i32 to index
    %get3A_1 = memref.load %arg5[%get3A, %get3A_0] : memref<4x2xi32, #tpu.memory_space<smem>>
    %c0_i32 = arith.constant 0 : i32
    %c0_i32_2 = arith.constant 0 : i32
    return %get3A_1, %c0_i32, %arg2 : i32, i32, i32
  }
  func.func @transform_3(%arg0: i32, %arg1: i32, %arg2: i32, %arg3: i32, %arg4: memref<4x2xi32, #tpu.memory_space<smem>>, %arg5: memref<4x2xi32, #tpu.memory_space<smem>>, %arg6: memref<4x2xi32, #tpu.memory_space<smem>>) -> (i32, i32, i32) {
    %get3A = arith.index_cast %arg0 : i32 to index
    %get3A_0 = arith.index_cast %arg1 : i32 to index
    %get3A_1 = memref.load %arg5[%get3A, %get3A_0] : memref<4x2xi32, #tpu.memory_space<smem>>
    %c0_i32 = arith.constant 0 : i32
    %c0_i32_2 = arith.constant 0 : i32
    return %get3A_1, %arg2, %c0_i32 : i32, i32, i32
  }
  func.func @transform_4(%arg0: i32, %arg1: i32, %arg2: i32, %arg3: i32, %arg4: memref<4x2xi32, #tpu.memory_space<smem>>, %arg5: memref<4x2xi32, #tpu.memory_space<smem>>, %arg6: memref<4x2xi32, #tpu.memory_space<smem>>) -> (i32, i32, i32) {
    %get3A = arith.index_cast %arg0 : i32 to index
    %get3A_0 = arith.index_cast %arg1 : i32 to index
    %get3A_1 = memref.load %arg5[%get3A, %get3A_0] : memref<4x2xi32, #tpu.memory_space<smem>>
    %c0_i32 = arith.constant 0 : i32
    %c0_i32_2 = arith.constant 0 : i32
    return %get3A_1, %c0_i32, %arg2 : i32, i32, i32
  }
  func.func @transform_5(%arg0: i32, %arg1: i32, %arg2: i32, %arg3: i32, %arg4: memref<4x2xi32, #tpu.memory_space<smem>>, %arg5: memref<4x2xi32, #tpu.memory_space<smem>>, %arg6: memref<4x2xi32, #tpu.memory_space<smem>>) -> (i32, i32, i32) {
    %get3A = arith.index_cast %arg0 : i32 to index
    %get3A_0 = arith.index_cast %arg1 : i32 to index
    %get3A_1 = memref.load %arg5[%get3A, %get3A_0] : memref<4x2xi32, #tpu.memory_space<smem>>
    %c0_i32 = arith.constant 0 : i32
    %c0_i32_2 = arith.constant 0 : i32
    %c0_i32_3 = arith.constant 0 : i32
    return %get3A_1, %c0_i32, %c0_i32_2 : i32, i32, i32
  }
  func.func @transform_6(%arg0: i32, %arg1: i32, %arg2: i32, %arg3: i32, %arg4: memref<4x2xi32, #tpu.memory_space<smem>>, %arg5: memref<4x2xi32, #tpu.memory_space<smem>>, %arg6: memref<4x2xi32, #tpu.memory_space<smem>>) -> (i32, i32, i32) {
    %c0_i32 = arith.constant 0 : i32
    %c0_i32_0 = arith.constant 0 : i32
    %c0_i32_1 = arith.constant 0 : i32
    return %arg0, %c0_i32, %c0_i32_0 : i32, i32, i32
  }
}

</mosaic_0001>

<sc_bundles>
// kernel: kernel.5.cloned.1.call-start
scs
__scs_entry_jumppad:
0x0: {  	(pc) =	sbr.rel $0x88, $3  }
0x1: {  	(tag) =	ssettag $0x0;
	lr =	simm.s32 $0x1  }
0x2: {  	[smem:$0x3F97] =	sst lr;
	_ =	strace $0xD0000000  }
0x3: {  	_ = 	snop  }
0x4: {  	_ = 	snop  }
0x5: {  	_ = 	snop  }
0x6: {  	_ = 	snop  }
0x7: {  	_ = 	snop  }
__scs_overlays_trampoline_lowered:
0x8: {  	[smem:$0x3FA6] =	sst s0  }
0x9: {  	[smem:$0x3FA7] =	sst s1  }
0xa: {  	[smem:$0x3FA8] =	sst s2  }
0xb: {  	[smem:$0x3FA9] =	sst s3  }
0xc: {  	[smem:$0x3FAA] =	sst s4  }
0xd: {  	[smem:$0x3FAB] =	sst s5  }
0xe: {  	[smem:$0x3FAC] =	sst s6  }
0xf: {  	[smem:$0x3FAD] =	sst s7  }
0x10: {  	[smem:$0x3FAE] =	sst s8  }
0x11: {  	[smem:$0x3FAF] =	sst s9;
	s0 =	simm.s32 @!p0 $0x0  }
0x12: {  	s1 =	sld [smem:$0x3F95];
	s0 =	simm.s32 @p0 $0x1  }
0x13: {  	[smem:$0x3FB0] =	sst s0;
	s0 =	simm.s32 @!p1 $0x0  }
0x14: {  	s2 =	sld [smem:$0x3F94];
	s0 =	simm.s32 @p1 $0x1  }
0x15: {  	[smem:$0x3FB1] =	sst s0;
	s0 =	simm.s32 @!p2 $0x0  }
0x16: {  	s3 =	sld [smem:$0x3FDB];
	s0 =	simm.s32 @p2 $0x1  }
0x17: {  	s4 =	simm.s32 $0x1BF5;
	[smem:$0x3FB3] =	sst s0  }
0x18: {  	s0 =	sld [smem:$0x3F96];
	_ =	swait.ge [sflag:s4], $0x0  }
0x19: {  	s7 =	sld [smem:$0x3F97]  }
0x1a: {  	s8 =	sadd.s32 $0xFFFFE003, lr  }
0x1b: {  	s9 =	sadd.s32 $0xFFFFFEF7, lr;
	s5 =	simm.s32 $0xFFFFFFFF;
	p2 =	slt.u32 s8, $0xFFFFF086  }
0x1c: {  	p1 =	slt.u32 s9, $0xF7A;
	s5 =	simm.s32 @!p2 $0x0  }
0x1d: {  	s5 =	simm.s32 @p1 $0x1;
	p0 =	seq.s32 s7, s2  }
0x1e: {  	s7 =	smul.u32 @!p0 $0xF7A, s2;
	p2 =	seq.s32 @!p0 s5, $0x0  }
0x1f: {  	s9 =	smul.u32 $0xF7A, s1;
	s8 =	simm.s32 @!p0 $0x1BF5;
	p2 =	por !p2, p0  }
0x20: {  	[sflag:s8] =	ssyncset.s32 @!p0 $0xFFFFF086;
	s6 =	sadd.s32 @!p0 s3, s7;
	s7 =	simm.s32 @!p0 $0x108  }
0x21: {  	s3 =	sadd.s32 s3, s9;
	s6 =	sadd.s32 @!p0 $0x88, s6;
	s7 =	simm.s32 @p2 $0x1082  }
0x22: {  	[simem:s7], [sflag:s8] =	dma.local @!p0 [hbm:s6], $0xF7A  }
0x23: {  	s9 =	sor.u32 $0xD0000000, s2;
	s6 =	simm.s32 $0x108;
	_ =	swait.ge @!p0 [sflag:s8], $0x0  }
0x24: {  	s3 =	sadd.s32 $0x88, s3;
	s6 =	simm.s32 @!p1 $0x1082;
	[sflag:s4] =	ssyncset.s32 $0xFFFFF086  }
0x25: {  	[simem:s6], [sflag:s4] =	dma.local [hbm:s3], $0xF7A  }
0x26: {  	[smem:$0x3F97] =	sst s1;
	(tag) =	ssettag s2;
	_ =	strace s9  }
0x27: {  	s1 =	sld [smem:$0x3FA7]  }
0x28: {  	s2 =	sld [smem:$0x3FA8]  }
0x29: {  	s4 =	sld [smem:$0x3FAA]  }
0x2a: {  	p0 =	seq.s32 s5, $0x0;
	s5 =	sld [smem:$0x3FAB]  }
0x2b: {  	s6 =	sld [smem:$0x3FAC]  }
0x2c: {  	s7 =	sld [smem:$0x3FAD]  }
0x2d: {  	s3 =	simm.s32 $0x108;
	s8 =	sld [smem:$0x3FAE]  }
0x2e: {  	s3 =	simm.s32 @!p0 $0x1082;
	s9 =	sld [smem:$0x3FAF]  }
0x2f: {  	lr =	sadd.s32 s0, s3;
	s0 =	sld [smem:$0x3FA6]  }
0x30: {  	s3 =	sld [smem:$0x3FA9]  }
0x31: {  	[smem:$0x3FB2] =	sst s10  }
0x32: {  	s10 =	sld [smem:$0x3FB0];
	_ =	sdelay $0x3  }
0x33: {  	p0 =	seq.s32 s10, $0x1;
	s10 =	sld [smem:$0x3FB2];
	_ =	sdelay $0x3  }
0x34: {  	[smem:$0x3FB2] =	sst s10  }
0x35: {  	s10 =	sld [smem:$0x3FB1];
	_ =	sdelay $0x3  }
0x36: {  	p1 =	seq.s32 s10, $0x1;
	s10 =	sld [smem:$0x3FB2];
	_ =	sdelay $0x3  }
0x37: {  	[smem:$0x3FB2] =	sst s10  }
0x38: {  	s10 =	sld [smem:$0x3FB3]  }
0x39: {  	_ = 	snop;
	(pc) =	sbr.ind lr, $3  }
0x3a: {  	_ = 	snop  }
0x3b: {  	_ = 	snop  }
0x3c: {  	p2 =	seq.s32 s10, $0x1;
	s10 =	sld [smem:$0x3FB2]  }
0x3d: {  	_ =	shalt  }
0x3e: {  	_ =	shalt  }
0x3f: {  	_ =	shalt  }
0x40: {  	_ =	shalt  }
0x41: {  	_ =	shalt  }
0x42: {  	_ =	shalt  }
0x43: {  	_ =	shalt  }
0x44: {  	_ =	shalt  }
0x45: {  	_ =	shalt  }
0x46: {  	_ =	shalt  }
0x47: {  	_ =	shalt  }
0x48: {  	_ =	shalt  }
0x49: {  	_ =	shalt  }
0x4a: {  	_ =	shalt  }
0x4b: {  	_ =	shalt  }
0x4c: {  	_ =	shalt  }
0x4d: {  	_ =	shalt  }
0x4e: {  	_ =	shalt  }
0x4f: {  	_ =	shalt  }
0x50: {  	_ =	shalt  }
0x51: {  	_ =	shalt  }
0x52: {  	_ =	shalt  }
0x53: {  	_ =	shalt  }
0x54: {  	_ =	shalt  }
0x55: {  	_ =	shalt  }
0x56: {  	_ =	shalt  }
0x57: {  	_ =	shalt  }
0x58: {  	_ =	shalt  }
0x59: {  	_ =	shalt  }
0x5a: {  	_ =	shalt  }
0x5b: {  	_ =	shalt  }
0x5c: {  	_ =	shalt  }
0x5d: {  	_ =	shalt  }
0x5e: {  	_ =	shalt  }
0x5f: {  	_ =	shalt  }
0x60: {  	_ =	shalt  }
0x61: {  	_ =	shalt  }
0x62: {  	_ =	shalt  }
0x63: {  	_ =	shalt  }
0x64: {  	_ =	shalt  }
0x65: {  	_ =	shalt  }
0x66: {  	_ =	shalt  }
0x67: {  	_ =	shalt  }
0x68: {  	_ =	shalt  }
0x69: {  	_ =	shalt  }
0x6a: {  	_ =	shalt  }
0x6b: {  	_ =	shalt  }
0x6c: {  	_ =	shalt  }
0x6d: {  	_ =	shalt  }
0x6e: {  	_ =	shalt  }
0x6f: {  	_ =	shalt  }
0x70: {  	_ =	shalt  }
0x71: {  	_ =	shalt  }
0x72: {  	_ =	shalt  }
0x73: {  	_ =	shalt  }
0x74: {  	_ =	shalt  }
0x75: {  	_ =	shalt  }
0x76: {  	_ =	shalt  }
0x77: {  	_ =	shalt  }
0x78: {  	_ =	shalt  }
0x79: {  	_ =	shalt  }
0x7a: {  	_ =	shalt  }
0x7b: {  	_ =	shalt  }
0x7c: {  	_ =	shalt  }
0x7d: {  	_ =	shalt  }
0x7e: {  	_ =	shalt  }
0x7f: {  	_ =	shalt  }
0x80: {  	_ =	shalt  }
0x81: {  	_ =	shalt  }
0x82: {  	_ =	shalt  }
0x83: {  	_ =	shalt  }
0x84: {  	_ =	shalt  }
0x85: {  	_ =	shalt  }
0x86: {  	_ =	shalt  }
0x87: {  	_ =	shalt  }
.Lfunc_end0:
.L_simem_size_0:
called_computation_lowered:
.L_overlay_start_0:
0x88: {  	s2 =	sld [smem:$0x3FD9]  }
0x89: {  	s3 =	sld [smem:$0x3FFE];
	_ =	sdelay $0x1  }
0x8a: {  	s1 =	srdreg.scid  }
0x8b: {  	s0 =	sand.u32 $0x1, s1  }
0x8c: {  	s17 =	sshll.u32 s0, $0xA;
	s2 =	sadd.s32 s3, s2  }
0x8d: {  	s2 =	sadd.s32 s2, s17  }
0x8e: {  	[smem:$0x3FBE] =	sst s2  }
0x8f: {  	_ = 	snop  }
0x90: {  	s2 =	sld [smem:$0x3FD0];
	(tm) =	ssettm $0x1  }
0x91: {  	s18 =	sld [smem:$0x3FFB];
	_ =	sdelay $0x3  }
0x92: {  	_ =	strace s18  }
0x93: {  	s3 =	sld [smem:$0x3FFC];
	_ =	sdelay $0x3  }
0x94: {  	_ =	strace s3  }
0x95: {  	s3 =	sld [smem:$0x3FFD];
	_ =	sdelay $0x3  }
0x96: {  	_ =	strace s3  }
0x97: {  	_ =	strace $0x8FFFFFFF  }
0x98: {  	s19 =	sld [smem:$0x3FDB];
	_ =	sdelay $0x1  }
0x99: {  	s4 =	simm.s32 $_scs_section_size  }
0x9a: {  	s5 =	simm.s32 $_size__tile_overlayer_lowered;
	s6 =	simm.s32 $_tile_overlayer_lowered  }
0x9b: {  	s22 =	simm.s32 $0x1BFF;
	s21 =	sshll.u32 s6, $0x1;
	s3 =	sadd.s32 s4, s19  }
0x9c: {  	s7 =	simm.s32 $0x0;
	s20 =	sshll.u32 s5, $0x1;
	s5 =	sadd.s32 s21, s3  }
0x9d: {  	[timem:s7], [sflag:s22] =	dma.local [hbm:s5], s20  }
0x9e: {  	_ =	swait.ge [sflag:s22], s20  }
0x9f: {  	s4 =	ssub.s32 $0x0, s20;
	[sflag:s22] =	ssyncset.done $0x0  }
0xa0: {  	[sflag:s22] =	ssyncadd.s32 s4;
	_ =	sdelay $0x1  }
0xa1: {  	s23 =	simm.s32 $0x1B8B  }
0xa2: {  	_ =	swait.ge [sflag:s23], $0x1  }
0xa3: {  	[sflag:s23] =	ssyncset.done $0x0  }
0xa4: {  	s25 =	simm.s32 $0x1B8E;
	s24 =	sld [smem:$0x3FFE];
	[sflag:s23] =	ssyncadd.s32 $0xFFFFFFFF  }
0xa5: {  	s26 =	simm.s32 $execute0_lowered;
	[smem:$0x3FD2] =	sst s25  }
0xa6: {  	s5 =	sshll.u32 s26, $0x1;
	_ =	strace $0x80000046;
	[dreg:$0x1] =	wrdreg $0xFFFFFFFF  }
0xa7: {  	s28 =	simm.s32 $_size_execute0_lowered;
	s3 =	sadd.s32 s3, s5;
	[dreg:$0x0] =	wrdreg $0x0  }
0xa8: {  	s5 =	sshll.u32 s28, $0x1;
	[dreg:$0x2] =	wrdreg s3  }
0xa9: {  	[dreg:$0x3] =	wrdreg s5  }
0xaa: {  	[dreg:$0x4] =	wrdreg $0xC0  }
0xab: {  	_ =	task [dreg:s7], $0x5FFFF  }
0xac: {  	[dreg:$0x1] =	wrdreg $0xFFFFFFFF  }
0xad: {  	[dreg:$0x0] =	wrdreg $0x60  }
0xae: {  	[dreg:$0x2] =	wrdreg s2  }
0xaf: {  	[dreg:$0x3] =	wrdreg s24  }
0xb0: {  	[dreg:$0x4] =	wrdreg $0x9  }
0xb1: {  	_ =	task.clear_ibuf [dreg:s7], $0x5FFFF;
	_ =	strace $0x90000046  }
0xb2: {  	s29 =	simm.s32 $0x9;
	_ =	strace $0x80000048  }
0xb3: {  	_ =	swait.ge [sflag:s29], $0x1  }
0xb4: {  	[sflag:s29] =	ssyncadd.s32 $0xFFFFFFFF  }
0xb5: {  	_ =	strace $0x90000048  }
0xb6: {  	_ =	sfence  }
0xb7: {  	s30 =	sld [smem:$0x0];
	_ =	sdelay $0x2  }
0xb8: {  	s31 =	sshll.u32 s1, $0xD;
	s1 =	sshrl.u32 s1, $0x2  }
0xb9: {  	s3 =	sand.u32 $0x4000, s31;
	s1 =	sadd.s32 s1, s30  }
0xba: {  	s0 =	sor.u32 s3, s0;
	s1 =	sshll.u32 s1, $0x11  }
0xbb: {  	s0 =	sor.u32 s1, s0  }
0xbc: {  	s0 =	sadd.s32 $0x8F2B, s0  }
0xbd: {  	[sflag:s0] =	ssyncadd.remote.s32 $0x1  }
0xbe: {  	_ =	sfence.sel $0xFFFF  }
0xbf: {  	[dreg:$0x0] =	wrdreg $0xFFFFFFFF;
	(pc) =	sbr.abs _section_cstart, $3  }
0xc0: {  	[dreg:$0x1] =	wrdreg $0xFFFFFFFF  }
0xc1: {  	_ =	task.clear_ibuf [dreg:s7], $0x2FFFF;
	_ =	strace $0x9FFFFFFF  }
0xc2: {  	(tm) =	ssettm $0x7FFFFFFF  }
0xc3: {  	_ =	shalt  }
tec
execute0_lowered:
.L_overlay_start_1:
0x0: {  	(tag) =	ssettag $0x1  }
0x1: {  	s0 =	rddreg [dreg:$0x0];
	s1 =	srdreg.scid  }
0x2: {  	[dreg:$0x3] =	wrdreg s0;
	s4 =	sand.u32 $0x1, s1;
	s0 =	stileid.u32  }
0x3: {  	s3 =	sor.u32 s0, s4  }
0x4: {  	p0 =	sne.s32 s3, $0x0  }
.Ltmp0:
0x5: {  	_ = 	snop;
	(pc) =	sbr.rel @p0 .LBB2_4-.Ltmp0, $3  }
0x6: {  	_ =	sdelay $0x1  }
0x7: {  	s2 =	rddreg [dreg:$0x1]  }
0x8: {  	s1 =	rddreg [dreg:$0x2];
	_ =	strace $0x80000047  }
0x9: {  	s3 =	sadd.s32 $0x1400, s2;
	s5 =	rddreg [dreg:$0x3]  }
0xa: {  	s25 =	sadd.s32 $0x1600, s2;
	[dreg:$0x4] =	wrdreg s3  }
0xb: {  	s26 =	simm.s32 $0x80;
	[dreg:$0x6] =	wrdreg s25  }
0xc: {  	s6 =	simm.s32 $0x100;
	[dreg:$0x5] =	wrdreg s26  }
0xd: {  	s2 =	simm.s32 $0x1;
	s3 =	simm.s32 $0x0;
	[dreg:$0x7] =	wrdreg s6  }
0xe: {  	[tilespmem:s3], [sflag:$0x1] =	stream.linear.gather [hbm4b:s5+s3], $0x80, $0x38;
	[tilespmem:$0x180] =	vst v63  }
0xf: {  	_ =	swait.ge [sflag:s2], $0x80  }
0x10: {  	[sflag:s2] =	ssyncset.done $0x0  }
0x11: {  	[sflag:s2] =	ssyncadd.s32 $0xFFFFFF80  }
0x12: {  	v3 =	vld [tilespmem:$0x0]  }
0x13: {  	vm9 =	vcmask $0x300  }
0x14: {  	v0 =	vimm.s32 $0x80000008;
	vm10 =	vcmask $0x704;
	vm11 =	vcmask $0xB08;
	v5 =	vld [tilespmem:$0x10]  }
0x15: {  	vm3 =	vmmov $0xff;
	vm12 =	vcmask $0xF0C;
	vm5 =	vcmask $0x1310  }
0x16: {  	v1 =	vimm.s32 $0x80000007;
	vm0 =	vcmask $0x1F00;
	vm13 =	vcmask $0x2320  }
0x17: {  	vm1 =	vcmask $0x2724;
	vm7 =	vcmask $0x1B18;
	v2 =	vnsel vm3, $0xFF61B1E6, v3  }
0x18: {  	vm14 =	vcmask $0x1F1C;
	v0 =	vsel vm9, $0x80000000, v0;
	v4 =	vsel vm3, $0xFF61B1E6, v3;
	(xrf0) =	vmax.scan.msk.f32 $0xffff, v2  }
0x19: {  	v1 =	vsel vm0, $0x80000008, v1;
	v0 =	vsel vm10, $0x80000001, v0;
	v6 =	vnsel vm3, $0xFF61B1E6, v5;
	(xrf0) =	vmax.scan.msk.f32 $0xffff, v4  }
0x1a: {  	vm0 =	vcmask $0x1714;
	v1 =	vsel vm13, $0x80000000, v1;
	v0 =	vsel vm11, $0x80000002, v0;
	(xrf0) =	vmax.scan.msk.f32 $0xffff, v6  }
0x1b: {  	v1 =	vsel vm1, $0x80000001, v1;
	vm1 =	vcmask $0x2B28;
	v0 =	vsel vm12, $0x80000003, v0  }
0x1c: {  	v1 =	vsel vm1, $0x80000002, v1;
	vm1 =	vcmask $0x2F2C;
	v0 =	vsel vm5, $0x80000004, v0  }
0x1d: {  	v1 =	vsel vm1, $0x80000003, v1;
	vm1 =	vcmask $0x3330;
	v8 =	vsel vm3, $0xFF61B1E6, v5  }
0x1e: {  	v0 =	vsel vm0, $0x80000005, v0;
	v1 =	vsel vm1, $0x80000004, v1;
	vm1 =	vcmask $0x3734;
	v7, _, _ =	vpop (xrf0);
	(xrf0) =	vmax.scan.msk.f32 $0xffff, v8  }
0x1f: {  	v0 =	vsel vm7, $0x80000006, v0;
	v1 =	vsel vm1, $0x80000005, v1;
	v9 =	vbroadcast v7, $0xF;
	v10, _, _ =	vpop (xrf0)  }
0x20: {  	vm1 =	vcmask $0x3B38;
	v0 =	vsel vm14, $0x80000007, v0;
	v11 =	vbroadcast v10, $0xF;
	v12, _, _ =	vpop (xrf0)  }
0x21: {  	v1 =	vsel vm1, $0x80000006, v1;
	vm1 =	veq.f32 v2, v9;
	v2 =	vbroadcast v12, $0xF  }
0x22: {  	v9 =	vnsel vm1, $0x80000008, v0;
	vm1 =	veq.f32 v4, v11  }
0x23: {  	v4 =	vnsel vm1, $0x80000008, v1;
	(xrf0) =	vmin.scan.msk.u32 $0xffff, v9;
	vm1 =	veq.f32 v6, v2  }
0x24: {  	(xrf0) =	vmin.scan.msk.u32 $0xffff, v4;
	v2 =	vnsel vm1, $0x80000008, v0;
	v38, _, _ =	vpop (xrf0)  }
0x25: {  	(xrf0) =	vmin.scan.msk.u32 $0xffff, v2;
	v2 =	vbroadcast v38, $0xF;
	_ =	sdelay $0x3  }
0x26: {  	vm1 =	veq.f32 v8, v2;
	v2, _, _ =	vpop (xrf0)  }
0x27: {  	(v2sf) =	vpush v2, $0xF;
	v2, _, _ =	vpop (xrf0)  }
0x28: {  	v4 =	vnsel vm1, $0x80000008, v1;
	(v2sf) =	vpush v2, $0xF  }
0x29: {  	(xrf0) =	vmin.scan.msk.u32 $0xffff, v4  }
0x2a: {  	v2, _, _ =	vpop (xrf0)  }
0x2b: {  	(v2sf) =	vpush v2, $0xF;
	_ =	sdelay $0x3  }
0x2c: {  	v2, _, _ =	vpop (xrf0)  }
0x2d: {  	(v2sf) =	vpush v2, $0xF;
	_ =	sdelay $0x5  }
0x2e: {  	s12 =	spop (v2sf)  }
0x2f: {  	v4 =	vlaneseq.u32;
	s11 =	sxor.u32 $0x80000000, s12;
	s9 =	spop (v2sf)  }
0x30: {  	v2 =	vand.u32 $0x7, v4;
	v39 =	vmov s11;
	s10 =	sxor.u32 $0x80000000, s9  }
0x31: {  	vm1 =	vne.s32 v39, v2;
	v40 =	vmov s10  }
0x32: {  	vm8 =	vcmask $0x3F20;
	s8 =	spop (v2sf);
	vm2 =	vmand vm1, vm3;
	vm1 =	vne.s32 v40, v2  }
0x33: {  	s28 =	sxor.u32 $0x80000000, s8;
	v42 =	vnsel vm2, $0xFF61B1E6, v3;
	vm4 =	vmand vm1, vm8  }
0x34: {  	v41 =	vmov s28;
	v43 =	vnsel vm4, $0xFF61B1E6, v3;
	(xrf0) =	vmax.scan.msk.f32 $0xffff, v42  }
0x35: {  	vm1 =	vne.s32 v41, v2;
	(xrf0) =	vmax.scan.msk.f32 $0xffff, v43  }
0x36: {  	vm6 =	vmand vm1, vm3  }
0x37: {  	s7 =	spop (v2sf);
	v44 =	vnsel vm6, $0xFF61B1E6, v5  }
0x38: {  	s29 =	sxor.u32 $0x80000000, s7;
	(xrf0) =	vmax.scan.msk.f32 $0xffff, v44  }
0x39: {  	v3 =	vmov s29  }
0x3a: {  	vm1 =	vne.s32 v3, v2;
	v45, _, _ =	vpop (xrf0)  }
0x3b: {  	(v2sf) =	vpush v12, $0xF;
	vm1 =	vmand vm1, vm8;
	v46 =	vbroadcast v45, $0xF;
	v13, _, _ =	vpop (xrf0)  }
0x3c: {  	(v2sf) =	vpush v10, $0xF;
	v5 =	vnsel vm1, $0xFF61B1E6, v5;
	v47 =	vbroadcast v13, $0xF  }
0x3d: {  	(v2sf) =	vpush v7, $0xF;
	v3 =	vor.u32 $0x80000000, v2;
	(xrf0) =	vmax.scan.msk.f32 $0xffff, v5;
	vm8 =	veq.f32 v42, v46  }
0x3e: {  	(v2sf) =	vpush v45, $0xF;
	v48, _, _ =	vpop (xrf0);
	vm2 =	vmand vm2, vm8;
	vm8 =	veq.f32 v43, v47  }
0x3f: {  	v49 =	vbroadcast v48, $0xF;
	v50 =	vnsel vm2, $0x80000008, v3;
	vm2 =	vmand vm4, vm8  }
0x40: {  	v51 =	vnsel vm2, $0x80000008, v3;
	(xrf0) =	vmin.scan.msk.u32 $0xffff, v50  }
0x41: {  	(v2sf) =	vpush v13, $0xF;
	vm2 =	veq.f32 v44, v49;
	(xrf0) =	vmin.scan.msk.u32 $0xffff, v51  }
0x42: {  	vm2 =	vmand vm6, vm2  }
0x43: {  	(v2sf) =	vpush v48, $0xF;
	v52, _, _ =	vpop (xrf0);
	v53 =	vnsel vm2, $0x80000008, v3  }
0x44: {  	(v2sf) =	vpush v52, $0xF;
	(xrf0) =	vmin.scan.msk.u32 $0xffff, v53  }
0x45: {  	(v2sf) =	vpush v38, $0xF  }
0x46: {  	v54, _, _ =	vpop (xrf0)  }
0x47: {  	(v2sf) =	vpush v54, $0xF;
	v55, _, _ =	vpop (xrf0)  }
0x48: {  	v7 =	vbroadcast v52, $0xF;
	(v2sf) =	vpush v55, $0xF;
	_ =	sdelay $0x1  }
0x49: {  	s13 =	spop (v2sf);
	vm2 =	veq.f32 v5, v7;
	v5, _, _ =	vpop (xrf0)  }
0x4a: {  	s14 =	spop (v2sf);
	(v2sf) =	vpush v5, $0xF  }
0x4b: {  	s15 =	spop (v2sf);
	vm1 =	vmand vm1, vm2  }
0x4c: {  	v5 =	vnsel vm1, $0x80000008, v3;
	s16 =	spop (v2sf)  }
0x4d: {  	(xrf0) =	vmin.scan.msk.u32 $0xffff, v5;
	s17 =	ssub.f32 s16, s15;
	_ =	sdelay $0x1  }
0x4e: {  	s18 =	spop (v2sf);
	s15 =	ssub.f32 s15, s16;
	v5 =	vmov s17  }
0x4f: {  	s30 =	ssub.f32 s18, s14;
	v5 =	vnsel vm9, $0x0, v5  }
0x50: {  	s31 =	spop (v2sf);
	s14 =	ssub.f32 s14, s18;
	v5 =	vsel vm10, s15, v5  }
0x51: {  	s20 =	ssub.f32 s31, s13;
	v5 =	vsel vm11, s30, v5;
	s19 =	spop (v2sf)  }
0x52: {  	s13 =	ssub.f32 s13, s31;
	v56, _, _ =	vpop (xrf0);
	v5 =	vsel vm12, s14, v5;
	s21 =	spop (v2sf)  }
0x53: {  	s4 =	ssub.s32 $0x2, s4;
	(v2sf) =	vpush v56, $0xF;
	v5 =	vsel vm5, s20, v5;
	s22 =	ssub.f32 s19, s21  }
0x54: {  	p0 =	sne.s32 s12, s9;
	s14 =	ssub.f32 s21, s19;
	v5 =	vsel vm0, s13, v5;
	s23 =	spop (v2sf)  }
0x55: {  	p2 =	seq.s32 s12, s8;
	p3 =	seq.s32 s12, s7;
	v5 =	vsel vm7, s22, v5;
	s24 =	spop (v2sf)  }
0x56: {  	p4 =	seq.s32 s9, s7;
	v5 =	vsel vm14, s14, v5;
	p1 =	seq.s32 s12, s24;
	p5 =	seq.s32 s23, s24  }
0x57: {  	v5 =	vmul.f32 $1.442695020e+00, v5;
	p6 =	seq.s32 s23, s7;
	s17 =	sxor.u32 $0x80000000, s23;
	p1 =	por p1, p5  }
0x58: {  	p3 =	por p3, p6;
	s25 =	spop (v2sf);
	s13 =	simm.s32 @!p1 $0x0  }
0x59: {  	vm4 =	vmor vm9, vm13;
	(erf) = vpow2.f32 v5;
	p3 =	por p4, p3;
	v5 =	vmov s17;
	p6 =	seq.s32 s12, s25;
	s13 =	simm.s32 @p1 $0x1  }
0x5a: {  	v5 =	vsel vm4, s11, v5;
	s11 =	sxor.u32 $0x80000000, s24;
	p1 =	seq.s32 s23, s25;
	[smem:$0x7FD] =	sst s13  }
0x5b: {  	p5 =	por p6, p1;
	p6 =	seq.s32 s9, s25;
	p1 =	seq.s32 s23, s8  }
0x5c: {  	s13 =	simm.s32 $0x1;
	p5 =	por p6, p5;
	p6 =	seq.s32 s24, s25  }
0x5d: {  	p4 =	por p2, p1;
	p1 =	sne.s32 s23, s9;
	p2 =	seq.s32 s8, s7  }
0x5e: {  	s19 =	sld [smem:$0x7FD];
	p5 =	por p6, p5;
	p0 =	por !p0, !p1  }
0x5f: {  	p6 =	seq.s32 s8, s25;
	p1 =	seq.s32 s9, s8;
	p0 =	por !p0, !p0  }
0x60: {  	v58 =	vimm.s32 $0x0;
	p6 =	por p6, p5;
	p5 =	por p1, p4;
	p1 =	seq.s32 s24, s7  }
0x61: {  	v60 =	vimm.s32 $0x0;
	v61 =	vimm.s32 $0x0;
	vm15 =	veq.s32 v4, $0x5;
	s17 =	smov.u32 @p0 s10;
	s13 =	simm.s32 @!p0 $0x0;
	p0 =	seq.s32 s9, s24  }
0x62: {  	vm13 =	veq.s32 v4, $0xA;
	vm2 =	vcmask $0x700;
	vm1 =	vcmask $0x2720;
	p4 =	seq.s32 s19, $0x1;
	p3 =	por p1, p3;
	s26 =	spop (v2sf)  }
0x63: {  	vm6 =	vmmov vm14;
	v7 =	vsel vm4, $0xFFFFFFFF, v58;
	vm1 =	vmor vm2, vm1;
	p4 =	por p0, p4;
	p0 =	seq.s32 s12, s26;
	p1 =	seq.s32 s23, s26  }
0x64: {  	vm2 =	veq.s32 v4, $0x3;
	v8 =	vsel vm1, $0xFFFFFFFF, v60;
	v5 =	vnsel vm1, s10, v5;
	p2 =	por p2, p3;
	v57 =	vpop (erf);
	p0 =	por p0, p1;
	p1 =	seq.s32 s24, s8  }
0x65: {  	v5 =	vsel vm2, s11, v5;
	v59 =	vmov s13;
	s13 =	simm.s32 @!p4 $0x1;
	v6 =	vadd.f32 $1.000000000e+00, v57;
	p1 =	por p1, p5;
	p5 =	seq.s32 s9, s26  }
0x66: {  	[tilespmem:$0x1FFD0] =	vst v7;
	vm14 =	veq.s32 v4, $0xB;
	v5 =	vsel vm13, s17, v5;
	v7 =	vnsel vm11, $0x0, v59;
	s11 =	smov.u32 @p4 s17;
	p0 =	por p5, p0;
	p5 =	seq.s32 s24, s26  }
0x67: {  	v62 =	vsel vm12, s13, v7;
	v5 =	vsel vm14, s11, v5;
	s9 =	sxor.u32 $0x80000000, s25;
	(erf) = vrcp.f32 v6;
	s13 =	simm.s32 @!p1 $0x2;
	p0 =	por p5, p0  }
0x68: {  	vm1 =	veq.s32 v4, $0x3;
	v5 =	vsel vm5, s28, v5;
	p5 =	seq.s32 s8, s26;
	v6 =	vsel vm5, s13, v62;
	s8 =	smov.u32 s28;
	s13 =	simm.s32 @!p6 $0x2  }
0x69: {  	p3 =	seq.s32 s25, s7;
	v5 =	vsel vm15, s9, v5;
	s28 =	sxor.u32 $0x80000000, s26;
	s8 =	smov.u32 @p1 s11;
	v6 =	vsel vm0, s13, v6;
	vm0 =	veq.s32 v4, $0xC  }
0x6a: {  	[tilespmem:$0x1FFE0] =	vst v8;
	v8 =	vsel vm1, $0xFFFFFFFF, v61;
	vm1 =	veq.s32 v4, $0xD;
	p0 =	por p5, p0;
	p5 =	seq.s32 s25, s26;
	s9 =	smov.u32 @p6 s8;
	v5 =	vsel vm0, s8, v5  }
0x6b: {  	p1 =	por p3, p2;
	p0 =	por p5, p0;
	p6 =	seq.s32 s7, s26;
	v5 =	vsel vm1, s9, v5  }
0x6c: {  	vm2 =	veq.s32 v4, $0x7;
	s13 =	simm.s32 @!p1 $0x3;
	s7 =	smov.u32 s29;
	p0 =	por p6, p0;
	v5 =	vsel vm7, s29, v5  }
0x6d: {  	vm4 =	veq.s32 v4, $0xE;
	s5 =	smov.u32 s28;
	v6 =	vsel vm7, s13, v6;
	s7 =	smov.u32 @p1 s9;
	s13 =	simm.s32 @!p0 $0x3;
	v5 =	vsel vm2, s28, v5  }
0x6e: {  	s31 =	sshrl.u32 s4, $0x1;
	[tilespmem:$0x1FFF0] =	vst v8;
	s5 =	smov.u32 @p0 s7;
	v6 =	vsel vm6, s13, v6;
	vm6 =	veq.s32 v4, $0xF;
	v5 =	vsel vm4, s7, v5  }
0x6f: {  	s4 =	ssub.s32 s4, s31;
	[tilespmem:$0x90] =	vst v6;
	v4 =	vsel vm6, s5, v5  }
0x70: {  	s30 =	rddreg [dreg:$0x4];
	p0 =	sne.s32 s4, $0x1;
	v63 =	vpop (erf);
	[tilespmem:$0x80] =	vst v4  }
.Ltmp1:
0x71: {  	s29 =	rddreg [dreg:$0x5];
	[tilespmem:$0x100] =	vst v63;
	(pc) =	sbr.rel @!p0 .LBB2_3-.Ltmp1, $4  }
0x72: {  	[hbm4b:s30+s3] =	stream.linear.scatter [tilespmem:s29], [sflag:$0x1], $0x80, $0x38;
	[tilespmem:$0x180] =	vst v63  }
0x73: {  	_ =	swait.ge [sflag:s2], $0x80  }
0x74: {  	s5 =	rddreg [dreg:$0x6];
	[sflag:s2] =	ssyncset.done $0x0  }
0x75: {  	s4 =	sadd.s32 $0xFFFFFFFF, s4;
	s6 =	rddreg [dreg:$0x7];
	[sflag:s2] =	ssyncadd.s32 $0xFFFFFF80  }
.LBB2_2:
0x76: {  	[hbm4b:s5+s3] =	stream.linear.scatter [tilespmem:s6], [sflag:$0x1], $0x80, $0x38;
	[tilespmem:$0x180] =	vst v63  }
0x77: {  	p0 =	sne.s32 s4, $0x1  }
0x78: {  	s5 =	simm.s32 @!p0 $0x0  }
0x79: {  	s5 =	simm.s32 @p0 $0x1  }
0x7a: {  	[smem:$0x7FC] =	sst s5  }
0x7b: {  	_ =	swait.ge [sflag:s2], $0x80  }
0x7c: {  	[sflag:s2] =	ssyncset.done $0x0  }
0x7d: {  	s19 =	rddreg [dreg:$0x3];
	[sflag:s2] =	ssyncadd.s32 $0xFFFFFF80  }
0x7e: {  	[tilespmem:s3], [sflag:$0x1] =	stream.linear.gather [hbm4b:s19+s3], $0x80, $0x38;
	[tilespmem:$0x180] =	vst v63  }
0x7f: {  	_ =	swait.ge [sflag:s2], $0x80  }
0x80: {  	[sflag:s2] =	ssyncset.done $0x0  }
0x81: {  	[sflag:s2] =	ssyncadd.s32 $0xFFFFFF80  }
0x82: {  	v4 =	vld [tilespmem:$0x0];
	_ =	sdelay $0x2  }
0x83: {  	v5 =	vld [tilespmem:$0x10];
	_ =	sdelay $0x1  }
0x84: {  	v6 =	vnsel vm3, $0xFF61B1E6, v4  }
0x85: {  	v7 =	vsel vm3, $0xFF61B1E6, v4;
	(xrf0) =	vmax.scan.msk.f32 $0xffff, v6  }
0x86: {  	(xrf0) =	vmax.scan.msk.f32 $0xffff, v7  }
0x87: {  	v8 =	vnsel vm3, $0xFF61B1E6, v5  }
0x88: {  	(xrf0) =	vmax.scan.msk.f32 $0xffff, v8  }
0x89: {  	v9 =	vsel vm3, $0xFF61B1E6, v5  }
0x8a: {  	(xrf0) =	vmax.scan.msk.f32 $0xffff, v9  }
0x8b: {  	v10, _, _ =	vpop (xrf0)  }
0x8c: {  	v15 =	vbroadcast v10, $0xF;
	v12, _, _ =	vpop (xrf0)  }
0x8d: {  	v13 =	vbroadcast v12, $0xF  }
0x8e: {  	v14, _, _ =	vpop (xrf0);
	vm8 =	veq.f32 v6, v15  }
0x8f: {  	v40 =	vbroadcast v14, $0xF;
	v15 =	vnsel vm8, $0x80000008, v0;
	vm8 =	veq.f32 v7, v13  }
0x90: {  	v11, _, _ =	vpop (xrf0);
	v13 =	vnsel vm8, $0x80000008, v1;
	(xrf0) =	vmin.scan.msk.u32 $0xffff, v15  }
0x91: {  	vm8 =	veq.f32 v8, v40;
	(xrf0) =	vmin.scan.msk.u32 $0xffff, v13  }
0x92: {  	v41 =	vbroadcast v11, $0xF;
	v6 =	vnsel vm8, $0x80000008, v0  }
0x93: {  	(xrf0) =	vmin.scan.msk.u32 $0xffff, v6  }
0x94: {  	vm8 =	veq.f32 v9, v41  }
0x95: {  	v7 =	vnsel vm8, $0x80000008, v1  }
0x96: {  	(xrf0) =	vmin.scan.msk.u32 $0xffff, v7;
	v42, _, _ =	vpop (xrf0)  }
0x97: {  	(v2sf) =	vpush v42, $0xF;
	v43, _, _ =	vpop (xrf0)  }
0x98: {  	(v2sf) =	vpush v43, $0xF  }
0x99: {  	v44, _, _ =	vpop (xrf0)  }
0x9a: {  	(v2sf) =	vpush v44, $0xF;
	_ =	sdelay $0x1  }
0x9b: {  	v45, _, _ =	vpop (xrf0)  }
0x9c: {  	(v2sf) =	vpush v45, $0xF;
	_ =	sdelay $0x8  }
0x9d: {  	s11 =	spop (v2sf)  }
0x9e: {  	s12 =	sxor.u32 $0x80000000, s11;
	s8 =	spop (v2sf)  }
0x9f: {  	v46 =	vmov s12;
	s10 =	sxor.u32 $0x80000000, s8  }
0xa0: {  	s9 =	spop (v2sf);
	vm8 =	vne.s32 v46, v2;
	v47 =	vmov s10  }
0xa1: {  	vm12 =	vcmask $0x3F20;
	p0 =	sne.s32 s11, s8;
	s6 =	sxor.u32 $0x80000000, s9;
	vm8 =	vmand vm8, vm3;
	vm9 =	vne.s32 v47, v2  }
0xa2: {  	s5 =	simm.s32 @!p0 $0x0;
	v48 =	vmov s6;
	v49 =	vnsel vm8, $0xFF61B1E6, v4;
	vm11 =	vmand vm9, vm12  }
0xa3: {  	s7 =	spop (v2sf);
	s5 =	simm.s32 @p0 $0x1;
	vm9 =	vne.s32 v48, v2;
	v4 =	vnsel vm11, $0xFF61B1E6, v4;
	(xrf0) =	vmax.scan.msk.f32 $0xffff, v49  }
0xa4: {  	[smem:$0x7F1] =	sst s5;
	s5 =	sxor.u32 $0x80000000, s7;
	vm9 =	vmand vm9, vm3;
	(xrf0) =	vmax.scan.msk.f32 $0xffff, v4  }
0xa5: {  	v50 =	vmov s5;
	v51 =	vnsel vm9, $0xFF61B1E6, v5  }
0xa6: {  	vm10 =	vne.s32 v50, v2;
	(xrf0) =	vmax.scan.msk.f32 $0xffff, v51  }
0xa7: {  	(v2sf) =	vpush v14, $0xF;
	vm10 =	vmand vm10, vm12  }
0xa8: {  	(v2sf) =	vpush v12, $0xF;
	v5 =	vnsel vm10, $0xFF61B1E6, v5  }
0xa9: {  	(xrf0) =	vmax.scan.msk.f32 $0xffff, v5;
	v52, _, _ =	vpop (xrf0)  }
0xaa: {  	(v2sf) =	vpush v10, $0xF;
	v53 =	vbroadcast v52, $0xF;
	v54, _, _ =	vpop (xrf0)  }
0xab: {  	(v2sf) =	vpush v52, $0xF;
	v55 =	vbroadcast v54, $0xF  }
0xac: {  	(v2sf) =	vpush v54, $0xF;
	v56, _, _ =	vpop (xrf0);
	vm12 =	veq.f32 v49, v53  }
0xad: {  	(v2sf) =	vpush v56, $0xF;
	vm8 =	vmand vm8, vm12;
	vm12 =	veq.f32 v4, v55  }
0xae: {  	v4 =	vbroadcast v56, $0xF;
	v58 =	vnsel vm8, $0x80000008, v3;
	vm8 =	vmand vm11, vm12  }
0xaf: {  	v57, _, _ =	vpop (xrf0);
	v59 =	vnsel vm8, $0x80000008, v3;
	(xrf0) =	vmin.scan.msk.u32 $0xffff, v58  }
0xb0: {  	vm8 =	veq.f32 v51, v4;
	(xrf0) =	vmin.scan.msk.u32 $0xffff, v59  }
0xb1: {  	(v2sf) =	vpush v57, $0xF;
	v4 =	vbroadcast v57, $0xF;
	vm8 =	vmand vm9, vm8  }
0xb2: {  	(v2sf) =	vpush v11, $0xF;
	v60 =	vnsel vm8, $0x80000008, v3  }
0xb3: {  	vm8 =	veq.f32 v5, v4;
	(xrf0) =	vmin.scan.msk.u32 $0xffff, v60  }
0xb4: {  	vm8 =	vmand vm10, vm8  }
0xb5: {  	v5 =	vnsel vm8, $0x80000008, v3;
	v4, _, _ =	vpop (xrf0)  }
0xb6: {  	s20 =	spop (v2sf);
	(xrf0) =	vmin.scan.msk.u32 $0xffff, v5;
	(v2sf) =	vpush v4, $0xF;
	v4, _, _ =	vpop (xrf0)  }
0xb7: {  	p1 =	seq.s32 s8, s9;
	s14 =	spop (v2sf);
	(v2sf) =	vpush v4, $0xF  }
0xb8: {  	s13 =	simm.s32 @!p1 $0x0  }
0xb9: {  	s13 =	simm.s32 @p1 $0x1;
	p1 =	seq.s32 s9, s7;
	s15 =	spop (v2sf);
	v4, _, _ =	vpop (xrf0)  }
0xba: {  	[smem:$0x7F2] =	sst s13;
	s13 =	simm.s32 @!p1 $0x0;
	s16 =	spop (v2sf);
	(v2sf) =	vpush v4, $0xF  }
0xbb: {  	s13 =	simm.s32 @p1 $0x1;
	s17 =	ssub.f32 s16, s15  }
0xbc: {  	[smem:$0x7F7] =	sst s13;
	s18 =	spop (v2sf);
	v4, _, _ =	vpop (xrf0)  }
0xbd: {  	vm8 =	vcmask $0x300;
	s15 =	ssub.f32 s15, s16;
	s19 =	spop (v2sf);
	(v2sf) =	vpush v4, $0xF;
	v4 =	vmov s17  }
0xbe: {  	s21 =	ssub.f32 s18, s14;
	v4 =	vnsel vm8, $0x0, v4;
	vm8 =	vcmask $0x704  }
0xbf: {  	s14 =	ssub.f32 s14, s18;
	v4 =	vsel vm8, s15, v4;
	vm8 =	vcmask $0xB08  }
0xc0: {  	vm9 =	vcmask $0xF0C;
	s23 =	ssub.f32 s19, s20;
	s22 =	spop (v2sf);
	v4 =	vsel vm8, s21, v4  }
0xc1: {  	s13 =	ssub.f32 s20, s19;
	s24 =	spop (v2sf);
	v4 =	vsel vm9, s14, v4  }
0xc2: {  	vm10 =	vcmask $0x1714;
	s25 =	ssub.f32 s22, s24;
	v4 =	vsel vm5, s23, v4  }
0xc3: {  	s14 =	ssub.f32 s24, s22;
	v4 =	vsel vm10, s13, v4  }
0xc4: {  	p4 =	seq.s32 s11, s9;
	p0 =	seq.s32 s11, s7;
	s31 =	sld [smem:$0x7F1];
	vm11 =	vcmask $0x1F1C;
	v4 =	vsel vm7, s25, v4  }
0xc5: {  	p5 =	seq.s32 s8, s7;
	s15 =	sld [smem:$0x7F2];
	v4 =	vsel vm11, s14, v4;
	s26 =	spop (v2sf)  }
0xc6: {  	s22 =	sld [smem:$0x7F7];
	v4 =	vmul.f32 $1.442695020e+00, v4;
	s13 =	sxor.u32 $0x80000000, s26;
	s28 =	spop (v2sf)  }
0xc7: {  	p1 =	seq.s32 s26, s7;
	p3 =	seq.s32 s11, s28;
	p6 =	seq.s32 s26, s28  }
0xc8: {  	p2 =	seq.s32 s28, s7;
	(erf) = vpow2.f32 v4;
	p0 =	por p0, p1;
	v4 =	vld [tilespmem:$0x1FFD0];
	s18 =	sxor.u32 $0x80000000, s28  }
0xc9: {  	s14 =	simm.s32 @!p2 $0x0;
	s29 =	spop (v2sf);
	p0 =	por p5, p0  }
0xca: {  	p5 =	sne.s32 s26, s8;
	s14 =	simm.s32 @p2 $0x1;
	p2 =	por p3, p6  }
0xcb: {  	p3 =	seq.s32 s11, s29;
	p6 =	seq.s32 s26, s29;
	[smem:$0x7F4] =	sst s14  }
0xcc: {  	s14 =	simm.s32 @!p2 $0x0;
	p1 =	por p3, p6;
	s30 =	spop (v2sf)  }
0xcd: {  	v5 =	vmov s13;
	s14 =	simm.s32 @p2 $0x1;
	p2 =	seq.s32 s29, s7;
	s19 =	sld [smem:$0x7F4];
	vm12 =	vnez.u8 v4  }
0xce: {  	p3 =	seq.s32 s28, s29;
	[smem:$0x7F3] =	sst s14;
	v4 =	vsel vm12, s12, v5;
	s12 =	simm.s32 @!p2 $0x0  }
0xcf: {  	p6 =	seq.s32 s26, s9;
	s16 =	sld [smem:$0x7F3];
	s12 =	simm.s32 @p2 $0x1  }
0xd0: {  	p6 =	por p4, p6;
	[smem:$0x7F9] =	sst s12;
	s12 =	simm.s32 @!p0 $0x0  }
0xd1: {  	s12 =	simm.s32 @p0 $0x1;
	p0 =	seq.s32 s28, s9;
	s24 =	sld [smem:$0x7F9]  }
0xd2: {  	p4 =	seq.s32 s8, s28;
	[smem:$0x7F5] =	sst s12;
	s14 =	simm.s32 @!p0 $0x0  }
0xd3: {  	s14 =	simm.s32 @p0 $0x1;
	p0 =	seq.s32 s8, s29;
	s20 =	sld [smem:$0x7F5]  }
0xd4: {  	v5 =	vld [tilespmem:$0x1FFE0];
	[smem:$0x7F6] =	sst s14;
	p2 =	por p0, p1;
	s14 =	sxor.u32 $0x80000000, s29  }
0xd5: {  	p1 =	por p3, p2;
	p3 =	seq.s32 s9, s29;
	p2 =	seq.s32 s31, $0x1  }
0xd6: {  	s21 =	sld [smem:$0x7F6];
	p0 =	por !p2, !p5;
	p5 =	seq.s32 s11, s30  }
0xd7: {  	p2 =	seq.s32 s28, s30;
	p1 =	por p3, p1;
	p3 =	seq.s32 s26, s30  }
0xd8: {  	s11 =	simm.s32 @!p2 $0x0;
	p0 =	por !p0, !p0;
	p3 =	por p5, p3  }
0xd9: {  	vm12 =	vnez.u8 v5;
	v5 =	vld [tilespmem:$0x1FFF0];
	p5 =	seq.s32 s8, s30;
	s8 =	smov.u32 s6;
	s11 =	simm.s32 @p2 $0x1  }
0xda: {  	v4 =	vnsel vm12, s10, v4;
	s13 =	smov.u32 @p0 s10;
	s10 =	simm.s32 $0x1;
	p2 =	seq.s32 s16, $0x1  }
0xdb: {  	p3 =	por p5, p3;
	[smem:$0x7F8] =	sst s11;
	s11 =	simm.s32 @!p1 $0x0  }
0xdc: {  	s11 =	simm.s32 @p1 $0x1;
	p1 =	seq.s32 s15, $0x1;
	s23 =	sld [smem:$0x7F8]  }
0xdd: {  	s10 =	simm.s32 @!p0 $0x0;
	[smem:$0x7FB] =	sst s11;
	p0 =	por p1, p6  }
0xde: {  	vm12 =	vnez.u8 v5;
	p1 =	por p4, p2;
	p6 =	seq.s32 s9, s30;
	p2 =	seq.s32 s29, s30  }
0xdf: {  	v5 =	vpop (erf);
	v4 =	vsel vm12, s18, v4;
	p4 =	seq.s32 s20, $0x1;
	s9 =	simm.s32 @!p2 $0x0;
	s18 =	smov.u32 @p1 s13  }
0xe0: {  	v5 =	vadd.f32 $1.000000000e+00, v5;
	v61 =	vmov s10;
	s10 =	simm.s32 @!p1 $0x1;
	s26 =	sld [smem:$0x7FB];
	s9 =	simm.s32 @p2 $0x1  }
0xe1: {  	p2 =	seq.s32 s19, $0x1;
	p5 =	seq.s32 s23, $0x1;
	[smem:$0x7FA] =	sst s9  }
0xe2: {  	(erf) = vrcp.f32 v5;
	p2 =	por p2, p4;
	p4 =	seq.s32 s21, $0x1;
	p1 =	por p5, p3  }
0xe3: {  	v4 =	vsel vm13, s13, v4;
	p0 =	por p4, p0;
	p4 =	seq.s32 s22, $0x1;
	s25 =	sld [smem:$0x7FA]  }
0xe4: {  	v6 =	vnsel vm8, $0x0, v61;
	v4 =	vsel vm14, s18, v4;
	p5 =	seq.s32 s24, $0x1;
	p1 =	por p6, p1;
	p2 =	por p4, p2  }
0xe5: {  	v5 =	vsel vm9, s10, v6;
	v4 =	vsel vm5, s6, v4;
	s8 =	smov.u32 @p0 s18;
	p4 =	seq.s32 s7, s30;
	s10 =	simm.s32 @!p0 $0x2  }
0xe6: {  	v4 =	vsel vm15, s14, v4;
	p0 =	por p5, p2;
	p2 =	seq.s32 s26, $0x1;
	p6 =	seq.s32 s25, $0x1  }
0xe7: {  	v5 =	vsel vm5, s10, v5;
	v4 =	vsel vm0, s8, v4;
	s14 =	smov.u32 @p2 s8;
	s10 =	simm.s32 @!p2 $0x2;
	p1 =	por p6, p1  }
0xe8: {  	v5 =	vsel vm10, s10, v5;
	s10 =	simm.s32 @!p0 $0x3;
	v4 =	vsel vm1, s14, v4;
	p1 =	por p4, p1  }
0xe9: {  	s28 =	sxor.u32 $0x80000000, s30;
	s7 =	smov.u32 s5;
	v62 =	vsel vm7, s10, v5;
	v4 =	vsel vm7, s5, v4;
	s10 =	simm.s32 @!p1 $0x3  }
0xea: {  	s8 =	smov.u32 s28;
	s7 =	smov.u32 @p0 s14;
	v4 =	vsel vm2, s28, v4;
	v63 =	vsel vm11, s10, v62  }
0xeb: {  	s8 =	smov.u32 @p1 s7;
	v5 =	vpop (erf);
	v4 =	vsel vm4, s7, v4;
	[tilespmem:$0x90] =	vst v63  }
0xec: {  	s29 =	rddreg [dreg:$0x5];
	[tilespmem:$0x100] =	vst v5;
	v4 =	vsel vm6, s8, v4  }
0xed: {  	s30 =	rddreg [dreg:$0x4];
	[tilespmem:$0x80] =	vst v4  }
0xee: {  	[hbm4b:s30+s3] =	stream.linear.scatter [tilespmem:s29], [sflag:$0x1], $0x80, $0x38;
	[tilespmem:$0x180] =	vst v63  }
0xef: {  	_ =	swait.ge [sflag:s2], $0x80  }
0xf0: {  	s31 =	sld [smem:$0x7FC];
	_ =	sdelay $0x2  }
0xf1: {  	p0 =	seq.s32 s31, $0x1  }
.Ltmp2:
0xf2: {  	_ = 	snop;
	(pc) =	sbr.rel @p0 .LBB2_2-.Ltmp2, $3  }
0xf3: {  	_ =	sdelay $0x1  }
0xf4: {  	s5 =	rddreg [dreg:$0x6];
	[sflag:s2] =	ssyncset.done $0x0  }
0xf5: {  	s4 =	sadd.s32 $0xFFFFFFFF, s4;
	s6 =	rddreg [dreg:$0x7];
	[sflag:s2] =	ssyncadd.s32 $0xFFFFFF80  }
.LBB2_3:
0xf6: {  	[hbm4b:s5+s3] =	stream.linear.scatter [tilespmem:s6], [sflag:$0x1], $0x80, $0x38;
	[tilespmem:$0x180] =	vst v63  }
0xf7: {  	_ =	swait.ge [sflag:s2], $0x80  }
0xf8: {  	[sflag:s2] =	ssyncset.done $0x0  }
0xf9: {  	[sflag:s2] =	ssyncadd.s32 $0xFFFFFF80  }
.LBB2_4:
0xfa: {  	_ =	sfence.sel $0x180000  }
0xfb: {  	[bflag:$0x0] =	sbarrier.arrive $0xFFFF  }
0xfc: {  	p0 =	sne.s32 s0, $0x0;
	_ =	strace $0x90000047  }
0xfd: {  	s0 =	sadd.s32 @!p0 $0x100000, s1;
	[bflag:$0x2] =	sbarrier.arrive $0xFFFF  }
0xfe: {  	[sflag:s0] =	ssyncadd.tile.s32 @!p0 $0x1;
	_ =	shalt  }
.Lfunc_end2:
_tile_overlayer_lowered:
.L_overlay_start_2:
0xff: {  	(tag) =	ssettag $0x2  }
0x100: {  	s0 =	rddreg [dreg:$0x0];
	s2 =	stileid.u32  }
0x101: {  	s1 =	rddreg [dreg:$0x1];
	p0 =	sne.s32 s2, $0x0  }
0x102: {  	s3 =	rddreg [dreg:$0x2];
	[bflag:$0x3] =	sbarrier.arrive $0xFFFF;
	s2 =	simm.s32 @!p0 $0x1C01  }
0x103: {  	[timem:s3], [sflag:s2] =	dma.local @!p0 [hbm:s0], s1  }
0x104: {  	s0 =	simm.s32 @!p0 $0x1  }
0x105: {  	_ =	swait.ge @!p0 [sflag:s0], s1  }
0x106: {  	s1 =	ssub.s32 @!p0 $0x0, s1;
	[sflag:s0] =	ssyncset.done @!p0 $0x0  }
0x107: {  	[sflag:s0] =	ssyncadd.s32 @!p0 s1  }
0x108: {  	[bflag:$0x3] =	sbarrier.arrive $0xFFFF  }
0x109: {  	_ =	shalt  }

</sc_bundles>
